<compile_context>
chip_gen: v7x
topology: tpu7x:2x2x1
jax: 0.10.2.dev20260603
libtpu: 0.0.44.dev20260713+nightly
codegen_flags: <defaults>
</compile_context>

<pallas_src>
import functools

import jax
import jax.numpy as jnp
from jax import lax
from jax.experimental import pallas as pl
from jax.experimental.pallas import tpu as pltpu
from jax.experimental.pallas import tpu_sc as plsc

N_ROWS = 20000
D = 512
K = 16
L = 16
NC = 2
NS = 16
NW = NC * NS
B = 40
NB = N_ROWS // B
NCH = D // L

NEG = -3.0e38

_mesh = plsc.VectorSubcoreMesh(core_axis_name="c", subcore_axis_name="s")


@functools.partial(
    pl.kernel,
    out_type=(
        jax.ShapeDtypeStruct((N_ROWS, K), jnp.float32),
        jax.ShapeDtypeStruct((N_ROWS, K), jnp.int32),
    ),
    mesh=_mesh,
    compiler_params=pltpu.CompilerParams(needs_layout_passes=False),
    scratch_types=[
        pltpu.VMEM((B, D), jnp.float32),
        pltpu.VMEM((B, K), jnp.float32),
        pltpu.VMEM((B, K), jnp.int32),
        pltpu.VMEM((D + L,), jnp.float32),
        pltpu.VMEM((D + L,), jnp.int32),
    ],
)
def _softmax_topk(x_hbm, probs_hbm, inds_hbm, x_v, p_v, i_v, cv_v, ci_v):
    wid = lax.axis_index("s") * NC + lax.axis_index("c")
    nblk = (NB - wid + NW - 1) // NW
    lane = lax.iota(jnp.int32, L)

    def do_block(k, carry_b):
        row0 = (wid + k * NW) * B
        pltpu.sync_copy(x_hbm.at[pl.ds(row0, B)], x_v)

        def do_row(r, carry_r):
            vs = []
            acc = jnp.zeros((L,), jnp.float32)
            mxl = jnp.full((L,), NEG, jnp.float32)
            for c in range(NCH):
                v = x_v[r, pl.ds(c * L, L)]
                vs.append(v)
                acc = acc + jnp.exp(v)
                mxl = jnp.maximum(mxl, v)
            theta = jnp.min(mxl)
            s = jnp.sum(acc)
            off = jnp.int32(0)
            for c in range(NCH):
                mask = vs[c] >= theta
                plsc.store_compressed(cv_v.at[pl.ds(off, L)], vs[c], mask=mask)
                plsc.store_compressed(ci_v.at[pl.ds(off, L)], lane + c * L, mask=mask)
                off = off + plsc.all_reduce_population_count(mask)[0]

            def do_cand(i, carry):
                top_v, top_i = carry
                vals = cv_v[pl.ds(i * L, L)]
                idxs = ci_v[pl.ds(i * L, L)]
                valid = (i * L + lane) < off
                vals = jnp.where(valid, vals, NEG)
                sv, si = plsc.sort_key_val(vals, idxs, descending=True)
                m = sv >= top_v
                mv = jnp.where(m, sv, top_v)
                mi = jnp.where(m, si, top_i)
                rv, ri = plsc.sort_key_val(mv, mi)
                return (rv, ri)

            top_v0 = jnp.full((L,), NEG, jnp.float32)
            top_i0 = jnp.zeros((L,), jnp.int32)
            nc = (off + L - 1) // L
            top_v, top_i = lax.fori_loop(0, nc, do_cand, (top_v0, top_i0))
            p_v[r] = lax.rev(jnp.exp(top_v) / s, (0,))
            i_v[r] = lax.rev(top_i, (0,))
            return carry_r

        lax.fori_loop(0, B, do_row, 0)
        pltpu.sync_copy(p_v, probs_hbm.at[pl.ds(row0, B)])
        pltpu.sync_copy(i_v, inds_hbm.at[pl.ds(row0, B)])
        return carry_b

    lax.fori_loop(0, nblk, do_block, 0)


def kernel(x, boxes, features):
    probs, inds = _softmax_topk(x)
    return probs, inds, boxes, features

# --- scband reference (transcript-rebuilt; emitter-appended) ---
"""Pipeline reference for scband-attribute-post-processor-72335839200006 (READ-ONLY COPY).

The authoritative reference and input builder live on the scoring server;
editing this copy changes nothing except your own understanding.
"""

import jax, jax.numpy as jnp
import numpy as np

MAX_NUM_ATTR = 16

def setup_inputs(seed: int = 0) -> dict:
    key = jax.random.key(seed)
    k1, k2, k3 = jax.random.split(key, 3)
    x = jax.random.normal(k1, (20000, 512), dtype=jnp.float32)
    boxes = jax.random.uniform(k2, (20000, 4), dtype=jnp.float32)
    features = jax.random.normal(k3, (20000, 1024), dtype=jnp.float32)
    return {"x": x, "boxes": boxes, "features": features}

def reference(x, boxes, features):
    # attribute_prob = F.softmax(x, -1)
    attribute_prob = jax.nn.softmax(x, axis=-1)
    # attribute_prob, attribute_inds = torch.sort(attribute_prob, descending=True)
    attribute_inds = jnp.argsort(-attribute_prob, axis=-1)
    attribute_prob_sorted = jnp.take_along_axis(attribute_prob, attribute_inds, axis=-1)
    # keep top max_num_attr per object
    attribute_prob_top = attribute_prob_sorted[:, :MAX_NUM_ATTR]
    attribute_inds_top = attribute_inds[:, :MAX_NUM_ATTR]
    # BoxList construction is container bookkeeping: the per-image split does not
    # change the underlying data, so return the concatenated fields that would be
    # attached to the BoxLists ('attribute' indices, probs, bbox, 'attr_feature').
    return (attribute_prob_top, attribute_inds_top, boxes, features)

if __name__ == "__main__":
    import jax
    _d = setup_inputs()
    print(jax.jit(kernel)(*tuple(_d.values())))

</pallas_src>

<mosaic_0001>
#map = affine_map<(d0, d1) -> (0, 0)>
module attributes {stable_mosaic.version = 14 : i64} {
  func.func @_softmax_topk(%arg0: i32, %arg1: i32, %arg2: memref<20000x512xf32, #tpu.memory_space<hbm>>, %arg3: memref<20000x16xf32, #tpu.memory_space<hbm>>, %arg4: memref<20000x16xi32, #tpu.memory_space<hbm>>, %arg5: memref<40x512xf32, #tpu.memory_space<vmem>>, %arg6: memref<40x16xf32, #tpu.memory_space<vmem>>, %arg7: memref<40x16xi32, #tpu.memory_space<vmem>>, %arg8: memref<528xf32, #tpu.memory_space<vmem>>, %arg9: memref<528xi32, #tpu.memory_space<vmem>>) attributes {dimension_semantics = [#tpu.dimension_semantics<core_parallel>, #tpu.dimension_semantics<subcore_parallel>], iteration_bounds = array<i64: 2, 16>, scalar_prefetch = 0 : i64, scratch_operands = 5 : i64, tpu.core_type = #tpu.core_type<sc_vector_subcore>, window_params = [{transform_indices = #map}, {transform_indices = #map}, {transform_indices = #map}]} {
    %mul3A = arith.constant 2 : i32
    %mul3A_0 = arith.muli %arg1, %mul3A : i32
    %add3A = arith.addi %mul3A_0, %arg0 : i32
    %sub3A = arith.constant 500 : i32
    %sub3A_1 = arith.subi %sub3A, %add3A : i32
    %add3A_2 = arith.constant 32 : i32
    %add3A_3 = arith.addi %sub3A_1, %add3A_2 : i32
    %sub3A_4 = arith.constant 1 : i32
    %sub3A_5 = arith.subi %add3A_3, %sub3A_4 : i32
    %jit3A = arith.constant 32 : i32
    %div3A = arith.divsi %sub3A_5, %jit3A : i32
    %sign3A = arith.constant 0 : i32
    %sign3A_6 = arith.cmpi sgt, %sub3A_5, %sign3A : i32
    %sign3A_7 = arith.extui %sign3A_6 : i1 to i32
    %sign3A_8 = arith.constant 0 : i32
    %sign3A_9 = arith.cmpi slt, %sub3A_5, %sign3A_8 : i32
    %sign3A_10 = arith.extui %sign3A_9 : i1 to i32
    %sign3A_11 = arith.subi %sign3A_7, %sign3A_10 : i32
    %sign3A_12 = arith.constant 0 : i32
    %sign3A_13 = arith.cmpi sgt, %jit3A, %sign3A_12 : i32
    %sign3A_14 = arith.extui %sign3A_13 : i1 to i32
    %sign3A_15 = arith.constant 0 : i32
    %sign3A_16 = arith.cmpi slt, %jit3A, %sign3A_15 : i32
    %sign3A_17 = arith.extui %sign3A_16 : i1 to i32
    %sign3A_18 = arith.subi %sign3A_14, %sign3A_17 : i32
    %ne3A = arith.cmpi ne, %sign3A_11, %sign3A_18 : i32
    %rem3A = arith.remsi %sub3A_5, %jit3A : i32
    %ne3A_19 = arith.constant 0 : i32
    %ne3A_20 = arith.cmpi ne, %rem3A, %ne3A_19 : i32
    %and3A = arith.andi %ne3A, %ne3A_20 : i1
    %sub3A_21 = arith.constant 1 : i32
    %sub3A_22 = arith.subi %div3A, %sub3A_21 : i32
    %select_n3A = arith.select %and3A, %sub3A_22, %div3A : i32
    %iota3A = tpu.iota {dimensions = array<i32: 0>} : vector<16xi32>
    %while3A = arith.constant 0 : i32
    %while3A_23 = arith.constant 0 : i32
    %while3A_24 = arith.subi %select_n3A, %while3A_23 : i32
    %while3A_25 = arith.addi %while3A_23, %while3A_24 : i32
    %while3A_26 = arith.constant 1 : i32
    %while3A_27 = arith.divsi %while3A_24, %while3A_26 : i32
    %while3A_28 = arith.muli %while3A_27, %while3A_26 : i32
    %while3A_29 = arith.addi %while3A_23, %while3A_28 : i32
    %while3A_30 = arith.constant 1 : i32
    scf.for %while3A_32 = %while3A_23 to %while3A_29 step %while3A_30  : i32 {
      %mul3A_33 = arith.constant 32 : i32
      %mul3A_34 = arith.muli %while3A_32, %mul3A_33 : i32
      %add3A_35 = arith.addi %add3A, %mul3A_34 : i32
      %mul3A_36 = arith.constant 40 : i32
      %mul3A_37 = arith.muli %add3A_35, %mul3A_36 : i32
      "tpu.region"() ({
        %run_scoped3A = tpu.sem_alloc : memref<!tpu.dma_semaphore, #tpu.memory_space<semaphore_mem>>
        %dma_start3A = arith.constant 0 : i32
        %dma_start3A_43 = tpu.memref_slice %arg2[%mul3A_37, %dma_start3A] : memref<20000x512xf32, #tpu.memory_space<hbm>> -> memref<40x512xf32, #tpu.memory_space<hbm>>
        %dma_start3A_44 = arith.constant 0 : i32
        %dma_start3A_45 = tpu.memref_slice %arg2[%mul3A_37, %dma_start3A_44] : memref<20000x512xf32, #tpu.memory_space<hbm>> -> memref<40x512xf32, #tpu.memory_space<hbm>>
        tpu.enqueue_dma source(%dma_start3A_45 : memref<40x512xf32, #tpu.memory_space<hbm>>) target(%arg5 : memref<40x512xf32, #tpu.memory_space<vmem>>) target_semaphore(%run_scoped3A : memref<!tpu.dma_semaphore, #tpu.memory_space<semaphore_mem>>)
        %dma_wait3A = arith.constant 0 : i32
        %dma_wait3A_46 = tpu.memref_slice %arg2[%mul3A_37, %dma_wait3A] : memref<20000x512xf32, #tpu.memory_space<hbm>> -> memref<40x512xf32, #tpu.memory_space<hbm>>
        %dma_wait3A_47 = arith.constant 0 : i32
        %dma_wait3A_48 = tpu.memref_slice %arg2[%mul3A_37, %dma_wait3A_47] : memref<20000x512xf32, #tpu.memory_space<hbm>> -> memref<40x512xf32, #tpu.memory_space<hbm>>
        tpu.wait_dma2 semaphore(%run_scoped3A : memref<!tpu.dma_semaphore, #tpu.memory_space<semaphore_mem>>) src(%dma_wait3A_48 : memref<40x512xf32, #tpu.memory_space<hbm>>) dst(%arg5 : memref<40x512xf32, #tpu.memory_space<vmem>>)
        tpu.yield
      }) : () -> ()
      %scan3A = arith.constant 0 : i32
      %scan3A_38 = arith.constant 0 : i32
      %scan3A_39 = arith.constant 40 : i32
      %scan3A_40 = arith.addi %scan3A_38, %scan3A_39 : i32
      %scan3A_41 = arith.constant 1 : i32
      scf.for %scan3A_43 = %scan3A_38 to %scan3A_40 step %scan3A_41  : i32 {
        %broadcast_in_dim3A = arith.constant 0.000000e+00 : f32
        %broadcast_in_dim3A_44 = vector.broadcast %broadcast_in_dim3A : f32 to vector<16xf32>
        %broadcast_in_dim3A_45 = arith.constant -3.000000e+38 : f32
        %broadcast_in_dim3A_46 = vector.broadcast %broadcast_in_dim3A_45 : f32 to vector<16xf32>
        %get3A = arith.index_cast %scan3A_43 : i32 to index
        %get3A_47 = arith.constant 0 : index
        %get3A_48 = tpu.vector_load %arg5[%get3A, %get3A_47] {strides = array<i32>} : memref<40x512xf32, #tpu.memory_space<vmem>>, vector<16xf32>,
        %exp3A = math.exp %get3A_48 : vector<16xf32>
        %add3A_49 = arith.addf %broadcast_in_dim3A_44, %exp3A : vector<16xf32>
        %max3A = arith.maximumf %broadcast_in_dim3A_46, %get3A_48 : vector<16xf32>
        %get3A_50 = arith.index_cast %scan3A_43 : i32 to index
        %get3A_51 = arith.constant 16 : index
        %get3A_52 = tpu.vector_load %arg5[%get3A_50, %get3A_51] {strides = array<i32>} : memref<40x512xf32, #tpu.memory_space<vmem>>, vector<16xf32>,
        %exp3A_53 = math.exp %get3A_52 : vector<16xf32>
        %add3A_54 = arith.addf %add3A_49, %exp3A_53 : vector<16xf32>
        %max3A_55 = arith.maximumf %max3A, %get3A_52 : vector<16xf32>
        %get3A_56 = arith.index_cast %scan3A_43 : i32 to index
        %get3A_57 = arith.constant 32 : index
        %get3A_58 = tpu.vector_load %arg5[%get3A_56, %get3A_57] {strides = array<i32>} : memref<40x512xf32, #tpu.memory_space<vmem>>, vector<16xf32>,
        %exp3A_59 = math.exp %get3A_58 : vector<16xf32>
        %add3A_60 = arith.addf %add3A_54, %exp3A_59 : vector<16xf32>
        %max3A_61 = arith.maximumf %max3A_55, %get3A_58 : vector<16xf32>
        %get3A_62 = arith.index_cast %scan3A_43 : i32 to index
        %get3A_63 = arith.constant 48 : index
        %get3A_64 = tpu.vector_load %arg5[%get3A_62, %get3A_63] {strides = array<i32>} : memref<40x512xf32, #tpu.memory_space<vmem>>, vector<16xf32>,
        %exp3A_65 = math.exp %get3A_64 : vector<16xf32>
        %add3A_66 = arith.addf %add3A_60, %exp3A_65 : vector<16xf32>
        %max3A_67 = arith.maximumf %max3A_61, %get3A_64 : vector<16xf32>
        %get3A_68 = arith.index_cast %scan3A_43 : i32 to index
        %get3A_69 = arith.constant 64 : index
        %get3A_70 = tpu.vector_load %arg5[%get3A_68, %get3A_69] {strides = array<i32>} : memref<40x512xf32, #tpu.memory_space<vmem>>, vector<16xf32>,
        %exp3A_71 = math.exp %get3A_70 : vector<16xf32>
        %add3A_72 = arith.addf %add3A_66, %exp3A_71 : vector<16xf32>
        %max3A_73 = arith.maximumf %max3A_67, %get3A_70 : vector<16xf32>
        %get3A_74 = arith.index_cast %scan3A_43 : i32 to index
        %get3A_75 = arith.constant 80 : index
        %get3A_76 = tpu.vector_load %arg5[%get3A_74, %get3A_75] {strides = array<i32>} : memref<40x512xf32, #tpu.memory_space<vmem>>, vector<16xf32>,
        %exp3A_77 = math.exp %get3A_76 : vector<16xf32>
        %add3A_78 = arith.addf %add3A_72, %exp3A_77 : vector<16xf32>
        %max3A_79 = arith.maximumf %max3A_73, %get3A_76 : vector<16xf32>
        %get3A_80 = arith.index_cast %scan3A_43 : i32 to index
        %get3A_81 = arith.constant 96 : index
        %get3A_82 = tpu.vector_load %arg5[%get3A_80, %get3A_81] {strides = array<i32>} : memref<40x512xf32, #tpu.memory_space<vmem>>, vector<16xf32>,
        %exp3A_83 = math.exp %get3A_82 : vector<16xf32>
        %add3A_84 = arith.addf %add3A_78, %exp3A_83 : vector<16xf32>
        %max3A_85 = arith.maximumf %max3A_79, %get3A_82 : vector<16xf32>
        %get3A_86 = arith.index_cast %scan3A_43 : i32 to index
        %get3A_87 = arith.constant 112 : index
        %get3A_88 = tpu.vector_load %arg5[%get3A_86, %get3A_87] {strides = array<i32>} : memref<40x512xf32, #tpu.memory_space<vmem>>, vector<16xf32>,
        %exp3A_89 = math.exp %get3A_88 : vector<16xf32>
        %add3A_90 = arith.addf %add3A_84, %exp3A_89 : vector<16xf32>
        %max3A_91 = arith.maximumf %max3A_85, %get3A_88 : vector<16xf32>
        %get3A_92 = arith.index_cast %scan3A_43 : i32 to index
        %get3A_93 = arith.constant 128 : index
        %get3A_94 = tpu.vector_load %arg5[%get3A_92, %get3A_93] {strides = array<i32>} : memref<40x512xf32, #tpu.memory_space<vmem>>, vector<16xf32>,
        %exp3A_95 = math.exp %get3A_94 : vector<16xf32>
        %add3A_96 = arith.addf %add3A_90, %exp3A_95 : vector<16xf32>
        %max3A_97 = arith.maximumf %max3A_91, %get3A_94 : vector<16xf32>
        %get3A_98 = arith.index_cast %scan3A_43 : i32 to index
        %get3A_99 = arith.constant 144 : index
        %get3A_100 = tpu.vector_load %arg5[%get3A_98, %get3A_99] {strides = array<i32>} : memref<40x512xf32, #tpu.memory_space<vmem>>, vector<16xf32>,
        %exp3A_101 = math.exp %get3A_100 : vector<16xf32>
        %add3A_102 = arith.addf %add3A_96, %exp3A_101 : vector<16xf32>
        %max3A_103 = arith.maximumf %max3A_97, %get3A_100 : vector<16xf32>
        %get3A_104 = arith.index_cast %scan3A_43 : i32 to index
        %get3A_105 = arith.constant 160 : index
        %get3A_106 = tpu.vector_load %arg5[%get3A_104, %get3A_105] {strides = array<i32>} : memref<40x512xf32, #tpu.memory_space<vmem>>, vector<16xf32>,
        %exp3A_107 = math.exp %get3A_106 : vector<16xf32>
        %add3A_108 = arith.addf %add3A_102, %exp3A_107 : vector<16xf32>
        %max3A_109 = arith.maximumf %max3A_103, %get3A_106 : vector<16xf32>
        %get3A_110 = arith.index_cast %scan3A_43 : i32 to index
        %get3A_111 = arith.constant 176 : index
        %get3A_112 = tpu.vector_load %arg5[%get3A_110, %get3A_111] {strides = array<i32>} : memref<40x512xf32, #tpu.memory_space<vmem>>, vector<16xf32>,
        %exp3A_113 = math.exp %get3A_112 : vector<16xf32>
        %add3A_114 = arith.addf %add3A_108, %exp3A_113 : vector<16xf32>
        %max3A_115 = arith.maximumf %max3A_109, %get3A_112 : vector<16xf32>
        %get3A_116 = arith.index_cast %scan3A_43 : i32 to index
        %get3A_117 = arith.constant 192 : index
        %get3A_118 = tpu.vector_load %arg5[%get3A_116, %get3A_117] {strides = array<i32>} : memref<40x512xf32, #tpu.memory_space<vmem>>, vector<16xf32>,
        %exp3A_119 = math.exp %get3A_118 : vector<16xf32>
        %add3A_120 = arith.addf %add3A_114, %exp3A_119 : vector<16xf32>
        %max3A_121 = arith.maximumf %max3A_115, %get3A_118 : vector<16xf32>
        %get3A_122 = arith.index_cast %scan3A_43 : i32 to index
        %get3A_123 = arith.constant 208 : index
        %get3A_124 = tpu.vector_load %arg5[%get3A_122, %get3A_123] {strides = array<i32>} : memref<40x512xf32, #tpu.memory_space<vmem>>, vector<16xf32>,
        %exp3A_125 = math.exp %get3A_124 : vector<16xf32>
        %add3A_126 = arith.addf %add3A_120, %exp3A_125 : vector<16xf32>
        %max3A_127 = arith.maximumf %max3A_121, %get3A_124 : vector<16xf32>
        %get3A_128 = arith.index_cast %scan3A_43 : i32 to index
        %get3A_129 = arith.constant 224 : index
        %get3A_130 = tpu.vector_load %arg5[%get3A_128, %get3A_129] {strides = array<i32>} : memref<40x512xf32, #tpu.memory_space<vmem>>, vector<16xf32>,
        %exp3A_131 = math.exp %get3A_130 : vector<16xf32>
        %add3A_132 = arith.addf %add3A_126, %exp3A_131 : vector<16xf32>
        %max3A_133 = arith.maximumf %max3A_127, %get3A_130 : vector<16xf32>
        %get3A_134 = arith.index_cast %scan3A_43 : i32 to index
        %get3A_135 = arith.constant 240 : index
        %get3A_136 = tpu.vector_load %arg5[%get3A_134, %get3A_135] {strides = array<i32>} : memref<40x512xf32, #tpu.memory_space<vmem>>, vector<16xf32>,
        %exp3A_137 = math.exp %get3A_136 : vector<16xf32>
        %add3A_138 = arith.addf %add3A_132, %exp3A_137 : vector<16xf32>
        %max3A_139 = arith.maximumf %max3A_133, %get3A_136 : vector<16xf32>
        %get3A_140 = arith.index_cast %scan3A_43 : i32 to index
        %get3A_141 = arith.constant 256 : index
        %get3A_142 = tpu.vector_load %arg5[%get3A_140, %get3A_141] {strides = array<i32>} : memref<40x512xf32, #tpu.memory_space<vmem>>, vector<16xf32>,
        %exp3A_143 = math.exp %get3A_142 : vector<16xf32>
        %add3A_144 = arith.addf %add3A_138, %exp3A_143 : vector<16xf32>
        %max3A_145 = arith.maximumf %max3A_139, %get3A_142 : vector<16xf32>
        %get3A_146 = arith.index_cast %scan3A_43 : i32 to index
        %get3A_147 = arith.constant 272 : index
        %get3A_148 = tpu.vector_load %arg5[%get3A_146, %get3A_147] {strides = array<i32>} : memref<40x512xf32, #tpu.memory_space<vmem>>, vector<16xf32>,
        %exp3A_149 = math.exp %get3A_148 : vector<16xf32>
        %add3A_150 = arith.addf %add3A_144, %exp3A_149 : vector<16xf32>
        %max3A_151 = arith.maximumf %max3A_145, %get3A_148 : vector<16xf32>
        %get3A_152 = arith.index_cast %scan3A_43 : i32 to index
        %get3A_153 = arith.constant 288 : index
        %get3A_154 = tpu.vector_load %arg5[%get3A_152, %get3A_153] {strides = array<i32>} : memref<40x512xf32, #tpu.memory_space<vmem>>, vector<16xf32>,
        %exp3A_155 = math.exp %get3A_154 : vector<16xf32>
        %add3A_156 = arith.addf %add3A_150, %exp3A_155 : vector<16xf32>
        %max3A_157 = arith.maximumf %max3A_151, %get3A_154 : vector<16xf32>
        %get3A_158 = arith.index_cast %scan3A_43 : i32 to index
        %get3A_159 = arith.constant 304 : index
        %get3A_160 = tpu.vector_load %arg5[%get3A_158, %get3A_159] {strides = array<i32>} : memref<40x512xf32, #tpu.memory_space<vmem>>, vector<16xf32>,
        %exp3A_161 = math.exp %get3A_160 : vector<16xf32>
        %add3A_162 = arith.addf %add3A_156, %exp3A_161 : vector<16xf32>
        %max3A_163 = arith.maximumf %max3A_157, %get3A_160 : vector<16xf32>
        %get3A_164 = arith.index_cast %scan3A_43 : i32 to index
        %get3A_165 = arith.constant 320 : index
        %get3A_166 = tpu.vector_load %arg5[%get3A_164, %get3A_165] {strides = array<i32>} : memref<40x512xf32, #tpu.memory_space<vmem>>, vector<16xf32>,
        %exp3A_167 = math.exp %get3A_166 : vector<16xf32>
        %add3A_168 = arith.addf %add3A_162, %exp3A_167 : vector<16xf32>
        %max3A_169 = arith.maximumf %max3A_163, %get3A_166 : vector<16xf32>
        %get3A_170 = arith.index_cast %scan3A_43 : i32 to index
        %get3A_171 = arith.constant 336 : index
        %get3A_172 = tpu.vector_load %arg5[%get3A_170, %get3A_171] {strides = array<i32>} : memref<40x512xf32, #tpu.memory_space<vmem>>, vector<16xf32>,
        %exp3A_173 = math.exp %get3A_172 : vector<16xf32>
        %add3A_174 = arith.addf %add3A_168, %exp3A_173 : vector<16xf32>
        %max3A_175 = arith.maximumf %max3A_169, %get3A_172 : vector<16xf32>
        %get3A_176 = arith.index_cast %scan3A_43 : i32 to index
        %get3A_177 = arith.constant 352 : index
        %get3A_178 = tpu.vector_load %arg5[%get3A_176, %get3A_177] {strides = array<i32>} : memref<40x512xf32, #tpu.memory_space<vmem>>, vector<16xf32>,
        %exp3A_179 = math.exp %get3A_178 : vector<16xf32>
        %add3A_180 = arith.addf %add3A_174, %exp3A_179 : vector<16xf32>
        %max3A_181 = arith.maximumf %max3A_175, %get3A_178 : vector<16xf32>
        %get3A_182 = arith.index_cast %scan3A_43 : i32 to index
        %get3A_183 = arith.constant 368 : index
        %get3A_184 = tpu.vector_load %arg5[%get3A_182, %get3A_183] {strides = array<i32>} : memref<40x512xf32, #tpu.memory_space<vmem>>, vector<16xf32>,
        %exp3A_185 = math.exp %get3A_184 : vector<16xf32>
        %add3A_186 = arith.addf %add3A_180, %exp3A_185 : vector<16xf32>
        %max3A_187 = arith.maximumf %max3A_181, %get3A_184 : vector<16xf32>
        %get3A_188 = arith.index_cast %scan3A_43 : i32 to index
        %get3A_189 = arith.constant 384 : index
        %get3A_190 = tpu.vector_load %arg5[%get3A_188, %get3A_189] {strides = array<i32>} : memref<40x512xf32, #tpu.memory_space<vmem>>, vector<16xf32>,
        %exp3A_191 = math.exp %get3A_190 : vector<16xf32>
        %add3A_192 = arith.addf %add3A_186, %exp3A_191 : vector<16xf32>
        %max3A_193 = arith.maximumf %max3A_187, %get3A_190 : vector<16xf32>
        %get3A_194 = arith.index_cast %scan3A_43 : i32 to index
        %get3A_195 = arith.constant 400 : index
        %get3A_196 = tpu.vector_load %arg5[%get3A_194, %get3A_195] {strides = array<i32>} : memref<40x512xf32, #tpu.memory_space<vmem>>, vector<16xf32>,
        %exp3A_197 = math.exp %get3A_196 : vector<16xf32>
        %add3A_198 = arith.addf %add3A_192, %exp3A_197 : vector<16xf32>
        %max3A_199 = arith.maximumf %max3A_193, %get3A_196 : vector<16xf32>
        %get3A_200 = arith.index_cast %scan3A_43 : i32 to index
        %get3A_201 = arith.constant 416 : index
        %get3A_202 = tpu.vector_load %arg5[%get3A_200, %get3A_201] {strides = array<i32>} : memref<40x512xf32, #tpu.memory_space<vmem>>, vector<16xf32>,
        %exp3A_203 = math.exp %get3A_202 : vector<16xf32>
        %add3A_204 = arith.addf %add3A_198, %exp3A_203 : vector<16xf32>
        %max3A_205 = arith.maximumf %max3A_199, %get3A_202 : vector<16xf32>
        %get3A_206 = arith.index_cast %scan3A_43 : i32 to index
        %get3A_207 = arith.constant 432 : index
        %get3A_208 = tpu.vector_load %arg5[%get3A_206, %get3A_207] {strides = array<i32>} : memref<40x512xf32, #tpu.memory_space<vmem>>, vector<16xf32>,
        %exp3A_209 = math.exp %get3A_208 : vector<16xf32>
        %add3A_210 = arith.addf %add3A_204, %exp3A_209 : vector<16xf32>
        %max3A_211 = arith.maximumf %max3A_205, %get3A_208 : vector<16xf32>
        %get3A_212 = arith.index_cast %scan3A_43 : i32 to index
        %get3A_213 = arith.constant 448 : index
        %get3A_214 = tpu.vector_load %arg5[%get3A_212, %get3A_213] {strides = array<i32>} : memref<40x512xf32, #tpu.memory_space<vmem>>, vector<16xf32>,
        %exp3A_215 = math.exp %get3A_214 : vector<16xf32>
        %add3A_216 = arith.addf %add3A_210, %exp3A_215 : vector<16xf32>
        %max3A_217 = arith.maximumf %max3A_211, %get3A_214 : vector<16xf32>
        %get3A_218 = arith.index_cast %scan3A_43 : i32 to index
        %get3A_219 = arith.constant 464 : index
        %get3A_220 = tpu.vector_load %arg5[%get3A_218, %get3A_219] {strides = array<i32>} : memref<40x512xf32, #tpu.memory_space<vmem>>, vector<16xf32>,
        %exp3A_221 = math.exp %get3A_220 : vector<16xf32>
        %add3A_222 = arith.addf %add3A_216, %exp3A_221 : vector<16xf32>
        %max3A_223 = arith.maximumf %max3A_217, %get3A_220 : vector<16xf32>
        %get3A_224 = arith.index_cast %scan3A_43 : i32 to index
        %get3A_225 = arith.constant 480 : index
        %get3A_226 = tpu.vector_load %arg5[%get3A_224, %get3A_225] {strides = array<i32>} : memref<40x512xf32, #tpu.memory_space<vmem>>, vector<16xf32>,
        %exp3A_227 = math.exp %get3A_226 : vector<16xf32>
        %add3A_228 = arith.addf %add3A_222, %exp3A_227 : vector<16xf32>
        %max3A_229 = arith.maximumf %max3A_223, %get3A_226 : vector<16xf32>
        %get3A_230 = arith.index_cast %scan3A_43 : i32 to index
        %get3A_231 = arith.constant 496 : index
        %get3A_232 = tpu.vector_load %arg5[%get3A_230, %get3A_231] {strides = array<i32>} : memref<40x512xf32, #tpu.memory_space<vmem>>, vector<16xf32>,
        %exp3A_233 = math.exp %get3A_232 : vector<16xf32>
        %add3A_234 = arith.addf %add3A_228, %exp3A_233 : vector<16xf32>
        %max3A_235 = arith.maximumf %max3A_229, %get3A_232 : vector<16xf32>
        %reduce_min3A = arith.constant true
        %reduce_min3A_236 = vector.broadcast %reduce_min3A : i1 to vector<16xi1>
        %reduce_min3A_237 = tpu.scan <min>, %max3A_235 masked %reduce_min3A_236 : vector<16xf32>, vector<16xi1> -> vector<16xf32>
        %reduce_min3A_238 = vector.extract %reduce_min3A_237[15] : f32 from vector<16xf32>
        %reduce_sum3A = arith.constant true
        %reduce_sum3A_239 = vector.broadcast %reduce_sum3A : i1 to vector<16xi1>
        %reduce_sum3A_240 = tpu.scan <sum>, %add3A_234 masked %reduce_sum3A_239 : vector<16xf32>, vector<16xi1> -> vector<16xf32>
        %reduce_sum3A_241 = vector.extract %reduce_sum3A_240[15] : f32 from vector<16xf32>
        %ge3A = vector.broadcast %reduce_min3A_238 : f32 to vector<16xf32>
        %ge3A_242 = arith.cmpf oge, %get3A_48, %ge3A : vector<16xf32>
        %swap3A = arith.constant 0 : i32
        %swap3A_243 = arith.index_cast %swap3A : i32 to index
        %swap3A_244 = tpu.vector_load %arg8[%swap3A_243] masked %ge3A_242 {strides = array<i32>} : memref<528xf32, #tpu.memory_space<vmem>>, vector<16xf32>, vector<16xi1>
        tpu.vector_store %arg8[%swap3A_243], %get3A_48 masked %ge3A_242 {strides = array<i32>} : memref<528xf32, #tpu.memory_space<vmem>>, vector<16xf32>, vector<16xi1>
        %add3A_245 = arith.constant 0 : i32
        %add3A_246 = vector.broadcast %add3A_245 : i32 to vector<16xi32>
        %add3A_247 = arith.addi %iota3A, %add3A_246 : vector<16xi32>
        %swap3A_248 = arith.constant 0 : i32
        %swap3A_249 = arith.index_cast %swap3A_248 : i32 to index
        %swap3A_250 = tpu.vector_load %arg9[%swap3A_249] masked %ge3A_242 {strides = array<i32>} : memref<528xi32, #tpu.memory_space<vmem>>, vector<16xi32>, vector<16xi1>
        tpu.vector_store %arg9[%swap3A_249], %add3A_247 masked %ge3A_242 {strides = array<i32>} : memref<528xi32, #tpu.memory_space<vmem>>, vector<16xi32>, vector<16xi1>
        %all_reduce_population_count3A = tpu.all_reduce %ge3A_242 {dim = 0 : i64, kind = #tpu.reduction_kind<sum>} : vector<16xi1> -> vector<16xi32>
        %slice3A = vector.extract_strided_slice %all_reduce_population_count3A {offsets = [0], sizes = [1], strides = [1]} : vector<16xi32> to vector<1xi32>
        %squeeze3A = vector.extract %slice3A[0] : i32 from vector<1xi32>
        %add3A_251 = arith.constant 0 : i32
        %add3A_252 = arith.addi %add3A_251, %squeeze3A : i32
        %ge3A_253 = vector.broadcast %reduce_min3A_238 : f32 to vector<16xf32>
        %ge3A_254 = arith.cmpf oge, %get3A_52, %ge3A_253 : vector<16xf32>
        %swap3A_255 = arith.index_cast %add3A_252 : i32 to index
        %swap3A_256 = tpu.vector_load %arg8[%swap3A_255] masked %ge3A_254 {strides = array<i32>} : memref<528xf32, #tpu.memory_space<vmem>>, vector<16xf32>, vector<16xi1>
        tpu.vector_store %arg8[%swap3A_255], %get3A_52 masked %ge3A_254 {strides = array<i32>} : memref<528xf32, #tpu.memory_space<vmem>>, vector<16xf32>, vector<16xi1>
        %add3A_257 = arith.constant 16 : i32
        %add3A_258 = vector.broadcast %add3A_257 : i32 to vector<16xi32>
        %add3A_259 = arith.addi %iota3A, %add3A_258 : vector<16xi32>
        %swap3A_260 = arith.index_cast %add3A_252 : i32 to index
        %swap3A_261 = tpu.vector_load %arg9[%swap3A_260] masked %ge3A_254 {strides = array<i32>} : memref<528xi32, #tpu.memory_space<vmem>>, vector<16xi32>, vector<16xi1>
        tpu.vector_store %arg9[%swap3A_260], %add3A_259 masked %ge3A_254 {strides = array<i32>} : memref<528xi32, #tpu.memory_space<vmem>>, vector<16xi32>, vector<16xi1>
        %all_reduce_population_count3A_262 = tpu.all_reduce %ge3A_254 {dim = 0 : i64, kind = #tpu.reduction_kind<sum>} : vector<16xi1> -> vector<16xi32>
        %slice3A_263 = vector.extract_strided_slice %all_reduce_population_count3A_262 {offsets = [0], sizes = [1], strides = [1]} : vector<16xi32> to vector<1xi32>
        %squeeze3A_264 = vector.extract %slice3A_263[0] : i32 from vector<1xi32>
        %add3A_265 = arith.addi %add3A_252, %squeeze3A_264 : i32
        %ge3A_266 = vector.broadcast %reduce_min3A_238 : f32 to vector<16xf32>
        %ge3A_267 = arith.cmpf oge, %get3A_58, %ge3A_266 : vector<16xf32>
        %swap3A_268 = arith.index_cast %add3A_265 : i32 to index
        %swap3A_269 = tpu.vector_load %arg8[%swap3A_268] masked %ge3A_267 {strides = array<i32>} : memref<528xf32, #tpu.memory_space<vmem>>, vector<16xf32>, vector<16xi1>
        tpu.vector_store %arg8[%swap3A_268], %get3A_58 masked %ge3A_267 {strides = array<i32>} : memref<528xf32, #tpu.memory_space<vmem>>, vector<16xf32>, vector<16xi1>
        %add3A_270 = arith.constant 32 : i32
        %add3A_271 = vector.broadcast %add3A_270 : i32 to vector<16xi32>
        %add3A_272 = arith.addi %iota3A, %add3A_271 : vector<16xi32>
        %swap3A_273 = arith.index_cast %add3A_265 : i32 to index
        %swap3A_274 = tpu.vector_load %arg9[%swap3A_273] masked %ge3A_267 {strides = array<i32>} : memref<528xi32, #tpu.memory_space<vmem>>, vector<16xi32>, vector<16xi1>
        tpu.vector_store %arg9[%swap3A_273], %add3A_272 masked %ge3A_267 {strides = array<i32>} : memref<528xi32, #tpu.memory_space<vmem>>, vector<16xi32>, vector<16xi1>
        %all_reduce_population_count3A_275 = tpu.all_reduce %ge3A_267 {dim = 0 : i64, kind = #tpu.reduction_kind<sum>} : vector<16xi1> -> vector<16xi32>
        %slice3A_276 = vector.extract_strided_slice %all_reduce_population_count3A_275 {offsets = [0], sizes = [1], strides = [1]} : vector<16xi32> to vector<1xi32>
        %squeeze3A_277 = vector.extract %slice3A_276[0] : i32 from vector<1xi32>
        %add3A_278 = arith.addi %add3A_265, %squeeze3A_277 : i32
        %ge3A_279 = vector.broadcast %reduce_min3A_238 : f32 to vector<16xf32>
        %ge3A_280 = arith.cmpf oge, %get3A_64, %ge3A_279 : vector<16xf32>
        %swap3A_281 = arith.index_cast %add3A_278 : i32 to index
        %swap3A_282 = tpu.vector_load %arg8[%swap3A_281] masked %ge3A_280 {strides = array<i32>} : memref<528xf32, #tpu.memory_space<vmem>>, vector<16xf32>, vector<16xi1>
        tpu.vector_store %arg8[%swap3A_281], %get3A_64 masked %ge3A_280 {strides = array<i32>} : memref<528xf32, #tpu.memory_space<vmem>>, vector<16xf32>, vector<16xi1>
        %add3A_283 = arith.constant 48 : i32
        %add3A_284 = vector.broadcast %add3A_283 : i32 to vector<16xi32>
        %add3A_285 = arith.addi %iota3A, %add3A_284 : vector<16xi32>
        %swap3A_286 = arith.index_cast %add3A_278 : i32 to index
        %swap3A_287 = tpu.vector_load %arg9[%swap3A_286] masked %ge3A_280 {strides = array<i32>} : memref<528xi32, #tpu.memory_space<vmem>>, vector<16xi32>, vector<16xi1>
        tpu.vector_store %arg9[%swap3A_286], %add3A_285 masked %ge3A_280 {strides = array<i32>} : memref<528xi32, #tpu.memory_space<vmem>>, vector<16xi32>, vector<16xi1>
        %all_reduce_population_count3A_288 = tpu.all_reduce %ge3A_280 {dim = 0 : i64, kind = #tpu.reduction_kind<sum>} : vector<16xi1> -> vector<16xi32>
        %slice3A_289 = vector.extract_strided_slice %all_reduce_population_count3A_288 {offsets = [0], sizes = [1], strides = [1]} : vector<16xi32> to vector<1xi32>
        %squeeze3A_290 = vector.extract %slice3A_289[0] : i32 from vector<1xi32>
        %add3A_291 = arith.addi %add3A_278, %squeeze3A_290 : i32
        %ge3A_292 = vector.broadcast %reduce_min3A_238 : f32 to vector<16xf32>
        %ge3A_293 = arith.cmpf oge, %get3A_70, %ge3A_292 : vector<16xf32>
        %swap3A_294 = arith.index_cast %add3A_291 : i32 to index
        %swap3A_295 = tpu.vector_load %arg8[%swap3A_294] masked %ge3A_293 {strides = array<i32>} : memref<528xf32, #tpu.memory_space<vmem>>, vector<16xf32>, vector<16xi1>
        tpu.vector_store %arg8[%swap3A_294], %get3A_70 masked %ge3A_293 {strides = array<i32>} : memref<528xf32, #tpu.memory_space<vmem>>, vector<16xf32>, vector<16xi1>
        %add3A_296 = arith.constant 64 : i32
        %add3A_297 = vector.broadcast %add3A_296 : i32 to vector<16xi32>
        %add3A_298 = arith.addi %iota3A, %add3A_297 : vector<16xi32>
        %swap3A_299 = arith.index_cast %add3A_291 : i32 to index
        %swap3A_300 = tpu.vector_load %arg9[%swap3A_299] masked %ge3A_293 {strides = array<i32>} : memref<528xi32, #tpu.memory_space<vmem>>, vector<16xi32>, vector<16xi1>
        tpu.vector_store %arg9[%swap3A_299], %add3A_298 masked %ge3A_293 {strides = array<i32>} : memref<528xi32, #tpu.memory_space<vmem>>, vector<16xi32>, vector<16xi1>
        %all_reduce_population_count3A_301 = tpu.all_reduce %ge3A_293 {dim = 0 : i64, kind = #tpu.reduction_kind<sum>} : vector<16xi1> -> vector<16xi32>
        %slice3A_302 = vector.extract_strided_slice %all_reduce_population_count3A_301 {offsets = [0], sizes = [1], strides = [1]} : vector<16xi32> to vector<1xi32>
        %squeeze3A_303 = vector.extract %slice3A_302[0] : i32 from vector<1xi32>
        %add3A_304 = arith.addi %add3A_291, %squeeze3A_303 : i32
        %ge3A_305 = vector.broadcast %reduce_min3A_238 : f32 to vector<16xf32>
        %ge3A_306 = arith.cmpf oge, %get3A_76, %ge3A_305 : vector<16xf32>
        %swap3A_307 = arith.index_cast %add3A_304 : i32 to index
        %swap3A_308 = tpu.vector_load %arg8[%swap3A_307] masked %ge3A_306 {strides = array<i32>} : memref<528xf32, #tpu.memory_space<vmem>>, vector<16xf32>, vector<16xi1>
        tpu.vector_store %arg8[%swap3A_307], %get3A_76 masked %ge3A_306 {strides = array<i32>} : memref<528xf32, #tpu.memory_space<vmem>>, vector<16xf32>, vector<16xi1>
        %add3A_309 = arith.constant 80 : i32
        %add3A_310 = vector.broadcast %add3A_309 : i32 to vector<16xi32>
        %add3A_311 = arith.addi %iota3A, %add3A_310 : vector<16xi32>
        %swap3A_312 = arith.index_cast %add3A_304 : i32 to index
        %swap3A_313 = tpu.vector_load %arg9[%swap3A_312] masked %ge3A_306 {strides = array<i32>} : memref<528xi32, #tpu.memory_space<vmem>>, vector<16xi32>, vector<16xi1>
        tpu.vector_store %arg9[%swap3A_312], %add3A_311 masked %ge3A_306 {strides = array<i32>} : memref<528xi32, #tpu.memory_space<vmem>>, vector<16xi32>, vector<16xi1>
        %all_reduce_population_count3A_314 = tpu.all_reduce %ge3A_306 {dim = 0 : i64, kind = #tpu.reduction_kind<sum>} : vector<16xi1> -> vector<16xi32>
        %slice3A_315 = vector.extract_strided_slice %all_reduce_population_count3A_314 {offsets = [0], sizes = [1], strides = [1]} : vector<16xi32> to vector<1xi32>
        %squeeze3A_316 = vector.extract %slice3A_315[0] : i32 from vector<1xi32>
        %add3A_317 = arith.addi %add3A_304, %squeeze3A_316 : i32
        %ge3A_318 = vector.broadcast %reduce_min3A_238 : f32 to vector<16xf32>
        %ge3A_319 = arith.cmpf oge, %get3A_82, %ge3A_318 : vector<16xf32>
        %swap3A_320 = arith.index_cast %add3A_317 : i32 to index
        %swap3A_321 = tpu.vector_load %arg8[%swap3A_320] masked %ge3A_319 {strides = array<i32>} : memref<528xf32, #tpu.memory_space<vmem>>, vector<16xf32>, vector<16xi1>
        tpu.vector_store %arg8[%swap3A_320], %get3A_82 masked %ge3A_319 {strides = array<i32>} : memref<528xf32, #tpu.memory_space<vmem>>, vector<16xf32>, vector<16xi1>
        %add3A_322 = arith.constant 96 : i32
        %add3A_323 = vector.broadcast %add3A_322 : i32 to vector<16xi32>
        %add3A_324 = arith.addi %iota3A, %add3A_323 : vector<16xi32>
        %swap3A_325 = arith.index_cast %add3A_317 : i32 to index
        %swap3A_326 = tpu.vector_load %arg9[%swap3A_325] masked %ge3A_319 {strides = array<i32>} : memref<528xi32, #tpu.memory_space<vmem>>, vector<16xi32>, vector<16xi1>
        tpu.vector_store %arg9[%swap3A_325], %add3A_324 masked %ge3A_319 {strides = array<i32>} : memref<528xi32, #tpu.memory_space<vmem>>, vector<16xi32>, vector<16xi1>
        %all_reduce_population_count3A_327 = tpu.all_reduce %ge3A_319 {dim = 0 : i64, kind = #tpu.reduction_kind<sum>} : vector<16xi1> -> vector<16xi32>
        %slice3A_328 = vector.extract_strided_slice %all_reduce_population_count3A_327 {offsets = [0], sizes = [1], strides = [1]} : vector<16xi32> to vector<1xi32>
        %squeeze3A_329 = vector.extract %slice3A_328[0] : i32 from vector<1xi32>
        %add3A_330 = arith.addi %add3A_317, %squeeze3A_329 : i32
        %ge3A_331 = vector.broadcast %reduce_min3A_238 : f32 to vector<16xf32>
        %ge3A_332 = arith.cmpf oge, %get3A_88, %ge3A_331 : vector<16xf32>
        %swap3A_333 = arith.index_cast %add3A_330 : i32 to index
        %swap3A_334 = tpu.vector_load %arg8[%swap3A_333] masked %ge3A_332 {strides = array<i32>} : memref<528xf32, #tpu.memory_space<vmem>>, vector<16xf32>, vector<16xi1>
        tpu.vector_store %arg8[%swap3A_333], %get3A_88 masked %ge3A_332 {strides = array<i32>} : memref<528xf32, #tpu.memory_space<vmem>>, vector<16xf32>, vector<16xi1>
        %add3A_335 = arith.constant 112 : i32
        %add3A_336 = vector.broadcast %add3A_335 : i32 to vector<16xi32>
        %add3A_337 = arith.addi %iota3A, %add3A_336 : vector<16xi32>
        %swap3A_338 = arith.index_cast %add3A_330 : i32 to index
        %swap3A_339 = tpu.vector_load %arg9[%swap3A_338] masked %ge3A_332 {strides = array<i32>} : memref<528xi32, #tpu.memory_space<vmem>>, vector<16xi32>, vector<16xi1>
        tpu.vector_store %arg9[%swap3A_338], %add3A_337 masked %ge3A_332 {strides = array<i32>} : memref<528xi32, #tpu.memory_space<vmem>>, vector<16xi32>, vector<16xi1>
        %all_reduce_population_count3A_340 = tpu.all_reduce %ge3A_332 {dim = 0 : i64, kind = #tpu.reduction_kind<sum>} : vector<16xi1> -> vector<16xi32>
        %slice3A_341 = vector.extract_strided_slice %all_reduce_population_count3A_340 {offsets = [0], sizes = [1], strides = [1]} : vector<16xi32> to vector<1xi32>
        %squeeze3A_342 = vector.extract %slice3A_341[0] : i32 from vector<1xi32>
        %add3A_343 = arith.addi %add3A_330, %squeeze3A_342 : i32
        %ge3A_344 = vector.broadcast %reduce_min3A_238 : f32 to vector<16xf32>
        %ge3A_345 = arith.cmpf oge, %get3A_94, %ge3A_344 : vector<16xf32>
        %swap3A_346 = arith.index_cast %add3A_343 : i32 to index
        %swap3A_347 = tpu.vector_load %arg8[%swap3A_346] masked %ge3A_345 {strides = array<i32>} : memref<528xf32, #tpu.memory_space<vmem>>, vector<16xf32>, vector<16xi1>
        tpu.vector_store %arg8[%swap3A_346], %get3A_94 masked %ge3A_345 {strides = array<i32>} : memref<528xf32, #tpu.memory_space<vmem>>, vector<16xf32>, vector<16xi1>
        %add3A_348 = arith.constant 128 : i32
        %add3A_349 = vector.broadcast %add3A_348 : i32 to vector<16xi32>
        %add3A_350 = arith.addi %iota3A, %add3A_349 : vector<16xi32>
        %swap3A_351 = arith.index_cast %add3A_343 : i32 to index
        %swap3A_352 = tpu.vector_load %arg9[%swap3A_351] masked %ge3A_345 {strides = array<i32>} : memref<528xi32, #tpu.memory_space<vmem>>, vector<16xi32>, vector<16xi1>
        tpu.vector_store %arg9[%swap3A_351], %add3A_350 masked %ge3A_345 {strides = array<i32>} : memref<528xi32, #tpu.memory_space<vmem>>, vector<16xi32>, vector<16xi1>
        %all_reduce_population_count3A_353 = tpu.all_reduce %ge3A_345 {dim = 0 : i64, kind = #tpu.reduction_kind<sum>} : vector<16xi1> -> vector<16xi32>
        %slice3A_354 = vector.extract_strided_slice %all_reduce_population_count3A_353 {offsets = [0], sizes = [1], strides = [1]} : vector<16xi32> to vector<1xi32>
        %squeeze3A_355 = vector.extract %slice3A_354[0] : i32 from vector<1xi32>
        %add3A_356 = arith.addi %add3A_343, %squeeze3A_355 : i32
        %ge3A_357 = vector.broadcast %reduce_min3A_238 : f32 to vector<16xf32>
        %ge3A_358 = arith.cmpf oge, %get3A_100, %ge3A_357 : vector<16xf32>
        %swap3A_359 = arith.index_cast %add3A_356 : i32 to index
        %swap3A_360 = tpu.vector_load %arg8[%swap3A_359] masked %ge3A_358 {strides = array<i32>} : memref<528xf32, #tpu.memory_space<vmem>>, vector<16xf32>, vector<16xi1>
        tpu.vector_store %arg8[%swap3A_359], %get3A_100 masked %ge3A_358 {strides = array<i32>} : memref<528xf32, #tpu.memory_space<vmem>>, vector<16xf32>, vector<16xi1>
        %add3A_361 = arith.constant 144 : i32
        %add3A_362 = vector.broadcast %add3A_361 : i32 to vector<16xi32>
        %add3A_363 = arith.addi %iota3A, %add3A_362 : vector<16xi32>
        %swap3A_364 = arith.index_cast %add3A_356 : i32 to index
        %swap3A_365 = tpu.vector_load %arg9[%swap3A_364] masked %ge3A_358 {strides = array<i32>} : memref<528xi32, #tpu.memory_space<vmem>>, vector<16xi32>, vector<16xi1>
        tpu.vector_store %arg9[%swap3A_364], %add3A_363 masked %ge3A_358 {strides = array<i32>} : memref<528xi32, #tpu.memory_space<vmem>>, vector<16xi32>, vector<16xi1>
        %all_reduce_population_count3A_366 = tpu.all_reduce %ge3A_358 {dim = 0 : i64, kind = #tpu.reduction_kind<sum>} : vector<16xi1> -> vector<16xi32>
        %slice3A_367 = vector.extract_strided_slice %all_reduce_population_count3A_366 {offsets = [0], sizes = [1], strides = [1]} : vector<16xi32> to vector<1xi32>
        %squeeze3A_368 = vector.extract %slice3A_367[0] : i32 from vector<1xi32>
        %add3A_369 = arith.addi %add3A_356, %squeeze3A_368 : i32
        %ge3A_370 = vector.broadcast %reduce_min3A_238 : f32 to vector<16xf32>
        %ge3A_371 = arith.cmpf oge, %get3A_106, %ge3A_370 : vector<16xf32>
        %swap3A_372 = arith.index_cast %add3A_369 : i32 to index
        %swap3A_373 = tpu.vector_load %arg8[%swap3A_372] masked %ge3A_371 {strides = array<i32>} : memref<528xf32, #tpu.memory_space<vmem>>, vector<16xf32>, vector<16xi1>
        tpu.vector_store %arg8[%swap3A_372], %get3A_106 masked %ge3A_371 {strides = array<i32>} : memref<528xf32, #tpu.memory_space<vmem>>, vector<16xf32>, vector<16xi1>
        %add3A_374 = arith.constant 160 : i32
        %add3A_375 = vector.broadcast %add3A_374 : i32 to vector<16xi32>
        %add3A_376 = arith.addi %iota3A, %add3A_375 : vector<16xi32>
        %swap3A_377 = arith.index_cast %add3A_369 : i32 to index
        %swap3A_378 = tpu.vector_load %arg9[%swap3A_377] masked %ge3A_371 {strides = array<i32>} : memref<528xi32, #tpu.memory_space<vmem>>, vector<16xi32>, vector<16xi1>
        tpu.vector_store %arg9[%swap3A_377], %add3A_376 masked %ge3A_371 {strides = array<i32>} : memref<528xi32, #tpu.memory_space<vmem>>, vector<16xi32>, vector<16xi1>
        %all_reduce_population_count3A_379 = tpu.all_reduce %ge3A_371 {dim = 0 : i64, kind = #tpu.reduction_kind<sum>} : vector<16xi1> -> vector<16xi32>
        %slice3A_380 = vector.extract_strided_slice %all_reduce_population_count3A_379 {offsets = [0], sizes = [1], strides = [1]} : vector<16xi32> to vector<1xi32>
        %squeeze3A_381 = vector.extract %slice3A_380[0] : i32 from vector<1xi32>
        %add3A_382 = arith.addi %add3A_369, %squeeze3A_381 : i32
        %ge3A_383 = vector.broadcast %reduce_min3A_238 : f32 to vector<16xf32>
        %ge3A_384 = arith.cmpf oge, %get3A_112, %ge3A_383 : vector<16xf32>
        %swap3A_385 = arith.index_cast %add3A_382 : i32 to index
        %swap3A_386 = tpu.vector_load %arg8[%swap3A_385] masked %ge3A_384 {strides = array<i32>} : memref<528xf32, #tpu.memory_space<vmem>>, vector<16xf32>, vector<16xi1>
        tpu.vector_store %arg8[%swap3A_385], %get3A_112 masked %ge3A_384 {strides = array<i32>} : memref<528xf32, #tpu.memory_space<vmem>>, vector<16xf32>, vector<16xi1>
        %add3A_387 = arith.constant 176 : i32
        %add3A_388 = vector.broadcast %add3A_387 : i32 to vector<16xi32>
        %add3A_389 = arith.addi %iota3A, %add3A_388 : vector<16xi32>
        %swap3A_390 = arith.index_cast %add3A_382 : i32 to index
        %swap3A_391 = tpu.vector_load %arg9[%swap3A_390] masked %ge3A_384 {strides = array<i32>} : memref<528xi32, #tpu.memory_space<vmem>>, vector<16xi32>, vector<16xi1>
        tpu.vector_store %arg9[%swap3A_390], %add3A_389 masked %ge3A_384 {strides = array<i32>} : memref<528xi32, #tpu.memory_space<vmem>>, vector<16xi32>, vector<16xi1>
        %all_reduce_population_count3A_392 = tpu.all_reduce %ge3A_384 {dim = 0 : i64, kind = #tpu.reduction_kind<sum>} : vector<16xi1> -> vector<16xi32>
        %slice3A_393 = vector.extract_strided_slice %all_reduce_population_count3A_392 {offsets = [0], sizes = [1], strides = [1]} : vector<16xi32> to vector<1xi32>
        %squeeze3A_394 = vector.extract %slice3A_393[0] : i32 from vector<1xi32>
        %add3A_395 = arith.addi %add3A_382, %squeeze3A_394 : i32
        %ge3A_396 = vector.broadcast %reduce_min3A_238 : f32 to vector<16xf32>
        %ge3A_397 = arith.cmpf oge, %get3A_118, %ge3A_396 : vector<16xf32>
        %swap3A_398 = arith.index_cast %add3A_395 : i32 to index
        %swap3A_399 = tpu.vector_load %arg8[%swap3A_398] masked %ge3A_397 {strides = array<i32>} : memref<528xf32, #tpu.memory_space<vmem>>, vector<16xf32>, vector<16xi1>
        tpu.vector_store %arg8[%swap3A_398], %get3A_118 masked %ge3A_397 {strides = array<i32>} : memref<528xf32, #tpu.memory_space<vmem>>, vector<16xf32>, vector<16xi1>
        %add3A_400 = arith.constant 192 : i32
        %add3A_401 = vector.broadcast %add3A_400 : i32 to vector<16xi32>
        %add3A_402 = arith.addi %iota3A, %add3A_401 : vector<16xi32>
        %swap3A_403 = arith.index_cast %add3A_395 : i32 to index
        %swap3A_404 = tpu.vector_load %arg9[%swap3A_403] masked %ge3A_397 {strides = array<i32>} : memref<528xi32, #tpu.memory_space<vmem>>, vector<16xi32>, vector<16xi1>
        tpu.vector_store %arg9[%swap3A_403], %add3A_402 masked %ge3A_397 {strides = array<i32>} : memref<528xi32, #tpu.memory_space<vmem>>, vector<16xi32>, vector<16xi1>
        %all_reduce_population_count3A_405 = tpu.all_reduce %ge3A_397 {dim = 0 : i64, kind = #tpu.reduction_kind<sum>} : vector<16xi1> -> vector<16xi32>
        %slice3A_406 = vector.extract_strided_slice %all_reduce_population_count3A_405 {offsets = [0], sizes = [1], strides = [1]} : vector<16xi32> to vector<1xi32>
        %squeeze3A_407 = vector.extract %slice3A_406[0] : i32 from vector<1xi32>
        %add3A_408 = arith.addi %add3A_395, %squeeze3A_407 : i32
        %ge3A_409 = vector.broadcast %reduce_min3A_238 : f32 to vector<16xf32>
        %ge3A_410 = arith.cmpf oge, %get3A_124, %ge3A_409 : vector<16xf32>
        %swap3A_411 = arith.index_cast %add3A_408 : i32 to index
        %swap3A_412 = tpu.vector_load %arg8[%swap3A_411] masked %ge3A_410 {strides = array<i32>} : memref<528xf32, #tpu.memory_space<vmem>>, vector<16xf32>, vector<16xi1>
        tpu.vector_store %arg8[%swap3A_411], %get3A_124 masked %ge3A_410 {strides = array<i32>} : memref<528xf32, #tpu.memory_space<vmem>>, vector<16xf32>, vector<16xi1>
        %add3A_413 = arith.constant 208 : i32
        %add3A_414 = vector.broadcast %add3A_413 : i32 to vector<16xi32>
        %add3A_415 = arith.addi %iota3A, %add3A_414 : vector<16xi32>
        %swap3A_416 = arith.index_cast %add3A_408 : i32 to index
        %swap3A_417 = tpu.vector_load %arg9[%swap3A_416] masked %ge3A_410 {strides = array<i32>} : memref<528xi32, #tpu.memory_space<vmem>>, vector<16xi32>, vector<16xi1>
        tpu.vector_store %arg9[%swap3A_416], %add3A_415 masked %ge3A_410 {strides = array<i32>} : memref<528xi32, #tpu.memory_space<vmem>>, vector<16xi32>, vector<16xi1>
        %all_reduce_population_count3A_418 = tpu.all_reduce %ge3A_410 {dim = 0 : i64, kind = #tpu.reduction_kind<sum>} : vector<16xi1> -> vector<16xi32>
        %slice3A_419 = vector.extract_strided_slice %all_reduce_population_count3A_418 {offsets = [0], sizes = [1], strides = [1]} : vector<16xi32> to vector<1xi32>
        %squeeze3A_420 = vector.extract %slice3A_419[0] : i32 from vector<1xi32>
        %add3A_421 = arith.addi %add3A_408, %squeeze3A_420 : i32
        %ge3A_422 = vector.broadcast %reduce_min3A_238 : f32 to vector<16xf32>
        %ge3A_423 = arith.cmpf oge, %get3A_130, %ge3A_422 : vector<16xf32>
        %swap3A_424 = arith.index_cast %add3A_421 : i32 to index
        %swap3A_425 = tpu.vector_load %arg8[%swap3A_424] masked %ge3A_423 {strides = array<i32>} : memref<528xf32, #tpu.memory_space<vmem>>, vector<16xf32>, vector<16xi1>
        tpu.vector_store %arg8[%swap3A_424], %get3A_130 masked %ge3A_423 {strides = array<i32>} : memref<528xf32, #tpu.memory_space<vmem>>, vector<16xf32>, vector<16xi1>
        %add3A_426 = arith.constant 224 : i32
        %add3A_427 = vector.broadcast %add3A_426 : i32 to vector<16xi32>
        %add3A_428 = arith.addi %iota3A, %add3A_427 : vector<16xi32>
        %swap3A_429 = arith.index_cast %add3A_421 : i32 to index
        %swap3A_430 = tpu.vector_load %arg9[%swap3A_429] masked %ge3A_423 {strides = array<i32>} : memref<528xi32, #tpu.memory_space<vmem>>, vector<16xi32>, vector<16xi1>
        tpu.vector_store %arg9[%swap3A_429], %add3A_428 masked %ge3A_423 {strides = array<i32>} : memref<528xi32, #tpu.memory_space<vmem>>, vector<16xi32>, vector<16xi1>
        %all_reduce_population_count3A_431 = tpu.all_reduce %ge3A_423 {dim = 0 : i64, kind = #tpu.reduction_kind<sum>} : vector<16xi1> -> vector<16xi32>
        %slice3A_432 = vector.extract_strided_slice %all_reduce_population_count3A_431 {offsets = [0], sizes = [1], strides = [1]} : vector<16xi32> to vector<1xi32>
        %squeeze3A_433 = vector.extract %slice3A_432[0] : i32 from vector<1xi32>
        %add3A_434 = arith.addi %add3A_421, %squeeze3A_433 : i32
        %ge3A_435 = vector.broadcast %reduce_min3A_238 : f32 to vector<16xf32>
        %ge3A_436 = arith.cmpf oge, %get3A_136, %ge3A_435 : vector<16xf32>
        %swap3A_437 = arith.index_cast %add3A_434 : i32 to index
        %swap3A_438 = tpu.vector_load %arg8[%swap3A_437] masked %ge3A_436 {strides = array<i32>} : memref<528xf32, #tpu.memory_space<vmem>>, vector<16xf32>, vector<16xi1>
        tpu.vector_store %arg8[%swap3A_437], %get3A_136 masked %ge3A_436 {strides = array<i32>} : memref<528xf32, #tpu.memory_space<vmem>>, vector<16xf32>, vector<16xi1>
        %add3A_439 = arith.constant 240 : i32
        %add3A_440 = vector.broadcast %add3A_439 : i32 to vector<16xi32>
        %add3A_441 = arith.addi %iota3A, %add3A_440 : vector<16xi32>
        %swap3A_442 = arith.index_cast %add3A_434 : i32 to index
        %swap3A_443 = tpu.vector_load %arg9[%swap3A_442] masked %ge3A_436 {strides = array<i32>} : memref<528xi32, #tpu.memory_space<vmem>>, vector<16xi32>, vector<16xi1>
        tpu.vector_store %arg9[%swap3A_442], %add3A_441 masked %ge3A_436 {strides = array<i32>} : memref<528xi32, #tpu.memory_space<vmem>>, vector<16xi32>, vector<16xi1>
        %all_reduce_population_count3A_444 = tpu.all_reduce %ge3A_436 {dim = 0 : i64, kind = #tpu.reduction_kind<sum>} : vector<16xi1> -> vector<16xi32>
        %slice3A_445 = vector.extract_strided_slice %all_reduce_population_count3A_444 {offsets = [0], sizes = [1], strides = [1]} : vector<16xi32> to vector<1xi32>
        %squeeze3A_446 = vector.extract %slice3A_445[0] : i32 from vector<1xi32>
        %add3A_447 = arith.addi %add3A_434, %squeeze3A_446 : i32
        %ge3A_448 = vector.broadcast %reduce_min3A_238 : f32 to vector<16xf32>
        %ge3A_449 = arith.cmpf oge, %get3A_142, %ge3A_448 : vector<16xf32>
        %swap3A_450 = arith.index_cast %add3A_447 : i32 to index
        %swap3A_451 = tpu.vector_load %arg8[%swap3A_450] masked %ge3A_449 {strides = array<i32>} : memref<528xf32, #tpu.memory_space<vmem>>, vector<16xf32>, vector<16xi1>
        tpu.vector_store %arg8[%swap3A_450], %get3A_142 masked %ge3A_449 {strides = array<i32>} : memref<528xf32, #tpu.memory_space<vmem>>, vector<16xf32>, vector<16xi1>
        %add3A_452 = arith.constant 256 : i32
        %add3A_453 = vector.broadcast %add3A_452 : i32 to vector<16xi32>
        %add3A_454 = arith.addi %iota3A, %add3A_453 : vector<16xi32>
        %swap3A_455 = arith.index_cast %add3A_447 : i32 to index
        %swap3A_456 = tpu.vector_load %arg9[%swap3A_455] masked %ge3A_449 {strides = array<i32>} : memref<528xi32, #tpu.memory_space<vmem>>, vector<16xi32>, vector<16xi1>
        tpu.vector_store %arg9[%swap3A_455], %add3A_454 masked %ge3A_449 {strides = array<i32>} : memref<528xi32, #tpu.memory_space<vmem>>, vector<16xi32>, vector<16xi1>
        %all_reduce_population_count3A_457 = tpu.all_reduce %ge3A_449 {dim = 0 : i64, kind = #tpu.reduction_kind<sum>} : vector<16xi1> -> vector<16xi32>
        %slice3A_458 = vector.extract_strided_slice %all_reduce_population_count3A_457 {offsets = [0], sizes = [1], strides = [1]} : vector<16xi32> to vector<1xi32>
        %squeeze3A_459 = vector.extract %slice3A_458[0] : i32 from vector<1xi32>
        %add3A_460 = arith.addi %add3A_447, %squeeze3A_459 : i32
        %ge3A_461 = vector.broadcast %reduce_min3A_238 : f32 to vector<16xf32>
        %ge3A_462 = arith.cmpf oge, %get3A_148, %ge3A_461 : vector<16xf32>
        %swap3A_463 = arith.index_cast %add3A_460 : i32 to index
        %swap3A_464 = tpu.vector_load %arg8[%swap3A_463] masked %ge3A_462 {strides = array<i32>} : memref<528xf32, #tpu.memory_space<vmem>>, vector<16xf32>, vector<16xi1>
        tpu.vector_store %arg8[%swap3A_463], %get3A_148 masked %ge3A_462 {strides = array<i32>} : memref<528xf32, #tpu.memory_space<vmem>>, vector<16xf32>, vector<16xi1>
        %add3A_465 = arith.constant 272 : i32
        %add3A_466 = vector.broadcast %add3A_465 : i32 to vector<16xi32>
        %add3A_467 = arith.addi %iota3A, %add3A_466 : vector<16xi32>
        %swap3A_468 = arith.index_cast %add3A_460 : i32 to index
        %swap3A_469 = tpu.vector_load %arg9[%swap3A_468] masked %ge3A_462 {strides = array<i32>} : memref<528xi32, #tpu.memory_space<vmem>>, vector<16xi32>, vector<16xi1>
        tpu.vector_store %arg9[%swap3A_468], %add3A_467 masked %ge3A_462 {strides = array<i32>} : memref<528xi32, #tpu.memory_space<vmem>>, vector<16xi32>, vector<16xi1>
        %all_reduce_population_count3A_470 = tpu.all_reduce %ge3A_462 {dim = 0 : i64, kind = #tpu.reduction_kind<sum>} : vector<16xi1> -> vector<16xi32>
        %slice3A_471 = vector.extract_strided_slice %all_reduce_population_count3A_470 {offsets = [0], sizes = [1], strides = [1]} : vector<16xi32> to vector<1xi32>
        %squeeze3A_472 = vector.extract %slice3A_471[0] : i32 from vector<1xi32>
        %add3A_473 = arith.addi %add3A_460, %squeeze3A_472 : i32
        %ge3A_474 = vector.broadcast %reduce_min3A_238 : f32 to vector<16xf32>
        %ge3A_475 = arith.cmpf oge, %get3A_154, %ge3A_474 : vector<16xf32>
        %swap3A_476 = arith.index_cast %add3A_473 : i32 to index
        %swap3A_477 = tpu.vector_load %arg8[%swap3A_476] masked %ge3A_475 {strides = array<i32>} : memref<528xf32, #tpu.memory_space<vmem>>, vector<16xf32>, vector<16xi1>
        tpu.vector_store %arg8[%swap3A_476], %get3A_154 masked %ge3A_475 {strides = array<i32>} : memref<528xf32, #tpu.memory_space<vmem>>, vector<16xf32>, vector<16xi1>
        %add3A_478 = arith.constant 288 : i32
        %add3A_479 = vector.broadcast %add3A_478 : i32 to vector<16xi32>
        %add3A_480 = arith.addi %iota3A, %add3A_479 : vector<16xi32>
        %swap3A_481 = arith.index_cast %add3A_473 : i32 to index
        %swap3A_482 = tpu.vector_load %arg9[%swap3A_481] masked %ge3A_475 {strides = array<i32>} : memref<528xi32, #tpu.memory_space<vmem>>, vector<16xi32>, vector<16xi1>
        tpu.vector_store %arg9[%swap3A_481], %add3A_480 masked %ge3A_475 {strides = array<i32>} : memref<528xi32, #tpu.memory_space<vmem>>, vector<16xi32>, vector<16xi1>
        %all_reduce_population_count3A_483 = tpu.all_reduce %ge3A_475 {dim = 0 : i64, kind = #tpu.reduction_kind<sum>} : vector<16xi1> -> vector<16xi32>
        %slice3A_484 = vector.extract_strided_slice %all_reduce_population_count3A_483 {offsets = [0], sizes = [1], strides = [1]} : vector<16xi32> to vector<1xi32>
        %squeeze3A_485 = vector.extract %slice3A_484[0] : i32 from vector<1xi32>
        %add3A_486 = arith.addi %add3A_473, %squeeze3A_485 : i32
        %ge3A_487 = vector.broadcast %reduce_min3A_238 : f32 to vector<16xf32>
        %ge3A_488 = arith.cmpf oge, %get3A_160, %ge3A_487 : vector<16xf32>
        %swap3A_489 = arith.index_cast %add3A_486 : i32 to index
        %swap3A_490 = tpu.vector_load %arg8[%swap3A_489] masked %ge3A_488 {strides = array<i32>} : memref<528xf32, #tpu.memory_space<vmem>>, vector<16xf32>, vector<16xi1>
        tpu.vector_store %arg8[%swap3A_489], %get3A_160 masked %ge3A_488 {strides = array<i32>} : memref<528xf32, #tpu.memory_space<vmem>>, vector<16xf32>, vector<16xi1>
        %add3A_491 = arith.constant 304 : i32
        %add3A_492 = vector.broadcast %add3A_491 : i32 to vector<16xi32>
        %add3A_493 = arith.addi %iota3A, %add3A_492 : vector<16xi32>
        %swap3A_494 = arith.index_cast %add3A_486 : i32 to index
        %swap3A_495 = tpu.vector_load %arg9[%swap3A_494] masked %ge3A_488 {strides = array<i32>} : memref<528xi32, #tpu.memory_space<vmem>>, vector<16xi32>, vector<16xi1>
        tpu.vector_store %arg9[%swap3A_494], %add3A_493 masked %ge3A_488 {strides = array<i32>} : memref<528xi32, #tpu.memory_space<vmem>>, vector<16xi32>, vector<16xi1>
        %all_reduce_population_count3A_496 = tpu.all_reduce %ge3A_488 {dim = 0 : i64, kind = #tpu.reduction_kind<sum>} : vector<16xi1> -> vector<16xi32>
        %slice3A_497 = vector.extract_strided_slice %all_reduce_population_count3A_496 {offsets = [0], sizes = [1], strides = [1]} : vector<16xi32> to vector<1xi32>
        %squeeze3A_498 = vector.extract %slice3A_497[0] : i32 from vector<1xi32>
        %add3A_499 = arith.addi %add3A_486, %squeeze3A_498 : i32
        %ge3A_500 = vector.broadcast %reduce_min3A_238 : f32 to vector<16xf32>
        %ge3A_501 = arith.cmpf oge, %get3A_166, %ge3A_500 : vector<16xf32>
        %swap3A_502 = arith.index_cast %add3A_499 : i32 to index
        %swap3A_503 = tpu.vector_load %arg8[%swap3A_502] masked %ge3A_501 {strides = array<i32>} : memref<528xf32, #tpu.memory_space<vmem>>, vector<16xf32>, vector<16xi1>
        tpu.vector_store %arg8[%swap3A_502], %get3A_166 masked %ge3A_501 {strides = array<i32>} : memref<528xf32, #tpu.memory_space<vmem>>, vector<16xf32>, vector<16xi1>
        %add3A_504 = arith.constant 320 : i32
        %add3A_505 = vector.broadcast %add3A_504 : i32 to vector<16xi32>
        %add3A_506 = arith.addi %iota3A, %add3A_505 : vector<16xi32>
        %swap3A_507 = arith.index_cast %add3A_499 : i32 to index
        %swap3A_508 = tpu.vector_load %arg9[%swap3A_507] masked %ge3A_501 {strides = array<i32>} : memref<528xi32, #tpu.memory_space<vmem>>, vector<16xi32>, vector<16xi1>
        tpu.vector_store %arg9[%swap3A_507], %add3A_506 masked %ge3A_501 {strides = array<i32>} : memref<528xi32, #tpu.memory_space<vmem>>, vector<16xi32>, vector<16xi1>
        %all_reduce_population_count3A_509 = tpu.all_reduce %ge3A_501 {dim = 0 : i64, kind = #tpu.reduction_kind<sum>} : vector<16xi1> -> vector<16xi32>
        %slice3A_510 = vector.extract_strided_slice %all_reduce_population_count3A_509 {offsets = [0], sizes = [1], strides = [1]} : vector<16xi32> to vector<1xi32>
        %squeeze3A_511 = vector.extract %slice3A_510[0] : i32 from vector<1xi32>
        %add3A_512 = arith.addi %add3A_499, %squeeze3A_511 : i32
        %ge3A_513 = vector.broadcast %reduce_min3A_238 : f32 to vector<16xf32>
        %ge3A_514 = arith.cmpf oge, %get3A_172, %ge3A_513 : vector<16xf32>
        %swap3A_515 = arith.index_cast %add3A_512 : i32 to index
        %swap3A_516 = tpu.vector_load %arg8[%swap3A_515] masked %ge3A_514 {strides = array<i32>} : memref<528xf32, #tpu.memory_space<vmem>>, vector<16xf32>, vector<16xi1>
        tpu.vector_store %arg8[%swap3A_515], %get3A_172 masked %ge3A_514 {strides = array<i32>} : memref<528xf32, #tpu.memory_space<vmem>>, vector<16xf32>, vector<16xi1>
        %add3A_517 = arith.constant 336 : i32
        %add3A_518 = vector.broadcast %add3A_517 : i32 to vector<16xi32>
        %add3A_519 = arith.addi %iota3A, %add3A_518 : vector<16xi32>
        %swap3A_520 = arith.index_cast %add3A_512 : i32 to index
        %swap3A_521 = tpu.vector_load %arg9[%swap3A_520] masked %ge3A_514 {strides = array<i32>} : memref<528xi32, #tpu.memory_space<vmem>>, vector<16xi32>, vector<16xi1>
        tpu.vector_store %arg9[%swap3A_520], %add3A_519 masked %ge3A_514 {strides = array<i32>} : memref<528xi32, #tpu.memory_space<vmem>>, vector<16xi32>, vector<16xi1>
        %all_reduce_population_count3A_522 = tpu.all_reduce %ge3A_514 {dim = 0 : i64, kind = #tpu.reduction_kind<sum>} : vector<16xi1> -> vector<16xi32>
        %slice3A_523 = vector.extract_strided_slice %all_reduce_population_count3A_522 {offsets = [0], sizes = [1], strides = [1]} : vector<16xi32> to vector<1xi32>
        %squeeze3A_524 = vector.extract %slice3A_523[0] : i32 from vector<1xi32>
        %add3A_525 = arith.addi %add3A_512, %squeeze3A_524 : i32
        %ge3A_526 = vector.broadcast %reduce_min3A_238 : f32 to vector<16xf32>
        %ge3A_527 = arith.cmpf oge, %get3A_178, %ge3A_526 : vector<16xf32>
        %swap3A_528 = arith.index_cast %add3A_525 : i32 to index
        %swap3A_529 = tpu.vector_load %arg8[%swap3A_528] masked %ge3A_527 {strides = array<i32>} : memref<528xf32, #tpu.memory_space<vmem>>, vector<16xf32>, vector<16xi1>
        tpu.vector_store %arg8[%swap3A_528], %get3A_178 masked %ge3A_527 {strides = array<i32>} : memref<528xf32, #tpu.memory_space<vmem>>, vector<16xf32>, vector<16xi1>
        %add3A_530 = arith.constant 352 : i32
        %add3A_531 = vector.broadcast %add3A_530 : i32 to vector<16xi32>
        %add3A_532 = arith.addi %iota3A, %add3A_531 : vector<16xi32>
        %swap3A_533 = arith.index_cast %add3A_525 : i32 to index
        %swap3A_534 = tpu.vector_load %arg9[%swap3A_533] masked %ge3A_527 {strides = array<i32>} : memref<528xi32, #tpu.memory_space<vmem>>, vector<16xi32>, vector<16xi1>
        tpu.vector_store %arg9[%swap3A_533], %add3A_532 masked %ge3A_527 {strides = array<i32>} : memref<528xi32, #tpu.memory_space<vmem>>, vector<16xi32>, vector<16xi1>
        %all_reduce_population_count3A_535 = tpu.all_reduce %ge3A_527 {dim = 0 : i64, kind = #tpu.reduction_kind<sum>} : vector<16xi1> -> vector<16xi32>
        %slice3A_536 = vector.extract_strided_slice %all_reduce_population_count3A_535 {offsets = [0], sizes = [1], strides = [1]} : vector<16xi32> to vector<1xi32>
        %squeeze3A_537 = vector.extract %slice3A_536[0] : i32 from vector<1xi32>
        %add3A_538 = arith.addi %add3A_525, %squeeze3A_537 : i32
        %ge3A_539 = vector.broadcast %reduce_min3A_238 : f32 to vector<16xf32>
        %ge3A_540 = arith.cmpf oge, %get3A_184, %ge3A_539 : vector<16xf32>
        %swap3A_541 = arith.index_cast %add3A_538 : i32 to index
        %swap3A_542 = tpu.vector_load %arg8[%swap3A_541] masked %ge3A_540 {strides = array<i32>} : memref<528xf32, #tpu.memory_space<vmem>>, vector<16xf32>, vector<16xi1>
        tpu.vector_store %arg8[%swap3A_541], %get3A_184 masked %ge3A_540 {strides = array<i32>} : memref<528xf32, #tpu.memory_space<vmem>>, vector<16xf32>, vector<16xi1>
        %add3A_543 = arith.constant 368 : i32
        %add3A_544 = vector.broadcast %add3A_543 : i32 to vector<16xi32>
        %add3A_545 = arith.addi %iota3A, %add3A_544 : vector<16xi32>
        %swap3A_546 = arith.index_cast %add3A_538 : i32 to index
        %swap3A_547 = tpu.vector_load %arg9[%swap3A_546] masked %ge3A_540 {strides = array<i32>} : memref<528xi32, #tpu.memory_space<vmem>>, vector<16xi32>, vector<16xi1>
        tpu.vector_store %arg9[%swap3A_546], %add3A_545 masked %ge3A_540 {strides = array<i32>} : memref<528xi32, #tpu.memory_space<vmem>>, vector<16xi32>, vector<16xi1>
        %all_reduce_population_count3A_548 = tpu.all_reduce %ge3A_540 {dim = 0 : i64, kind = #tpu.reduction_kind<sum>} : vector<16xi1> -> vector<16xi32>
        %slice3A_549 = vector.extract_strided_slice %all_reduce_population_count3A_548 {offsets = [0], sizes = [1], strides = [1]} : vector<16xi32> to vector<1xi32>
        %squeeze3A_550 = vector.extract %slice3A_549[0] : i32 from vector<1xi32>
        %add3A_551 = arith.addi %add3A_538, %squeeze3A_550 : i32
        %ge3A_552 = vector.broadcast %reduce_min3A_238 : f32 to vector<16xf32>
        %ge3A_553 = arith.cmpf oge, %get3A_190, %ge3A_552 : vector<16xf32>
        %swap3A_554 = arith.index_cast %add3A_551 : i32 to index
        %swap3A_555 = tpu.vector_load %arg8[%swap3A_554] masked %ge3A_553 {strides = array<i32>} : memref<528xf32, #tpu.memory_space<vmem>>, vector<16xf32>, vector<16xi1>
        tpu.vector_store %arg8[%swap3A_554], %get3A_190 masked %ge3A_553 {strides = array<i32>} : memref<528xf32, #tpu.memory_space<vmem>>, vector<16xf32>, vector<16xi1>
        %add3A_556 = arith.constant 384 : i32
        %add3A_557 = vector.broadcast %add3A_556 : i32 to vector<16xi32>
        %add3A_558 = arith.addi %iota3A, %add3A_557 : vector<16xi32>
        %swap3A_559 = arith.index_cast %add3A_551 : i32 to index
        %swap3A_560 = tpu.vector_load %arg9[%swap3A_559] masked %ge3A_553 {strides = array<i32>} : memref<528xi32, #tpu.memory_space<vmem>>, vector<16xi32>, vector<16xi1>
        tpu.vector_store %arg9[%swap3A_559], %add3A_558 masked %ge3A_553 {strides = array<i32>} : memref<528xi32, #tpu.memory_space<vmem>>, vector<16xi32>, vector<16xi1>
        %all_reduce_population_count3A_561 = tpu.all_reduce %ge3A_553 {dim = 0 : i64, kind = #tpu.reduction_kind<sum>} : vector<16xi1> -> vector<16xi32>
        %slice3A_562 = vector.extract_strided_slice %all_reduce_population_count3A_561 {offsets = [0], sizes = [1], strides = [1]} : vector<16xi32> to vector<1xi32>
        %squeeze3A_563 = vector.extract %slice3A_562[0] : i32 from vector<1xi32>
        %add3A_564 = arith.addi %add3A_551, %squeeze3A_563 : i32
        %ge3A_565 = vector.broadcast %reduce_min3A_238 : f32 to vector<16xf32>
        %ge3A_566 = arith.cmpf oge, %get3A_196, %ge3A_565 : vector<16xf32>
        %swap3A_567 = arith.index_cast %add3A_564 : i32 to index
        %swap3A_568 = tpu.vector_load %arg8[%swap3A_567] masked %ge3A_566 {strides = array<i32>} : memref<528xf32, #tpu.memory_space<vmem>>, vector<16xf32>, vector<16xi1>
        tpu.vector_store %arg8[%swap3A_567], %get3A_196 masked %ge3A_566 {strides = array<i32>} : memref<528xf32, #tpu.memory_space<vmem>>, vector<16xf32>, vector<16xi1>
        %add3A_569 = arith.constant 400 : i32
        %add3A_570 = vector.broadcast %add3A_569 : i32 to vector<16xi32>
        %add3A_571 = arith.addi %iota3A, %add3A_570 : vector<16xi32>
        %swap3A_572 = arith.index_cast %add3A_564 : i32 to index
        %swap3A_573 = tpu.vector_load %arg9[%swap3A_572] masked %ge3A_566 {strides = array<i32>} : memref<528xi32, #tpu.memory_space<vmem>>, vector<16xi32>, vector<16xi1>
        tpu.vector_store %arg9[%swap3A_572], %add3A_571 masked %ge3A_566 {strides = array<i32>} : memref<528xi32, #tpu.memory_space<vmem>>, vector<16xi32>, vector<16xi1>
        %all_reduce_population_count3A_574 = tpu.all_reduce %ge3A_566 {dim = 0 : i64, kind = #tpu.reduction_kind<sum>} : vector<16xi1> -> vector<16xi32>
        %slice3A_575 = vector.extract_strided_slice %all_reduce_population_count3A_574 {offsets = [0], sizes = [1], strides = [1]} : vector<16xi32> to vector<1xi32>
        %squeeze3A_576 = vector.extract %slice3A_575[0] : i32 from vector<1xi32>
        %add3A_577 = arith.addi %add3A_564, %squeeze3A_576 : i32
        %ge3A_578 = vector.broadcast %reduce_min3A_238 : f32 to vector<16xf32>
        %ge3A_579 = arith.cmpf oge, %get3A_202, %ge3A_578 : vector<16xf32>
        %swap3A_580 = arith.index_cast %add3A_577 : i32 to index
        %swap3A_581 = tpu.vector_load %arg8[%swap3A_580] masked %ge3A_579 {strides = array<i32>} : memref<528xf32, #tpu.memory_space<vmem>>, vector<16xf32>, vector<16xi1>
        tpu.vector_store %arg8[%swap3A_580], %get3A_202 masked %ge3A_579 {strides = array<i32>} : memref<528xf32, #tpu.memory_space<vmem>>, vector<16xf32>, vector<16xi1>
        %add3A_582 = arith.constant 416 : i32
        %add3A_583 = vector.broadcast %add3A_582 : i32 to vector<16xi32>
        %add3A_584 = arith.addi %iota3A, %add3A_583 : vector<16xi32>
        %swap3A_585 = arith.index_cast %add3A_577 : i32 to index
        %swap3A_586 = tpu.vector_load %arg9[%swap3A_585] masked %ge3A_579 {strides = array<i32>} : memref<528xi32, #tpu.memory_space<vmem>>, vector<16xi32>, vector<16xi1>
        tpu.vector_store %arg9[%swap3A_585], %add3A_584 masked %ge3A_579 {strides = array<i32>} : memref<528xi32, #tpu.memory_space<vmem>>, vector<16xi32>, vector<16xi1>
        %all_reduce_population_count3A_587 = tpu.all_reduce %ge3A_579 {dim = 0 : i64, kind = #tpu.reduction_kind<sum>} : vector<16xi1> -> vector<16xi32>
        %slice3A_588 = vector.extract_strided_slice %all_reduce_population_count3A_587 {offsets = [0], sizes = [1], strides = [1]} : vector<16xi32> to vector<1xi32>
        %squeeze3A_589 = vector.extract %slice3A_588[0] : i32 from vector<1xi32>
        %add3A_590 = arith.addi %add3A_577, %squeeze3A_589 : i32
        %ge3A_591 = vector.broadcast %reduce_min3A_238 : f32 to vector<16xf32>
        %ge3A_592 = arith.cmpf oge, %get3A_208, %ge3A_591 : vector<16xf32>
        %swap3A_593 = arith.index_cast %add3A_590 : i32 to index
        %swap3A_594 = tpu.vector_load %arg8[%swap3A_593] masked %ge3A_592 {strides = array<i32>} : memref<528xf32, #tpu.memory_space<vmem>>, vector<16xf32>, vector<16xi1>
        tpu.vector_store %arg8[%swap3A_593], %get3A_208 masked %ge3A_592 {strides = array<i32>} : memref<528xf32, #tpu.memory_space<vmem>>, vector<16xf32>, vector<16xi1>
        %add3A_595 = arith.constant 432 : i32
        %add3A_596 = vector.broadcast %add3A_595 : i32 to vector<16xi32>
        %add3A_597 = arith.addi %iota3A, %add3A_596 : vector<16xi32>
        %swap3A_598 = arith.index_cast %add3A_590 : i32 to index
        %swap3A_599 = tpu.vector_load %arg9[%swap3A_598] masked %ge3A_592 {strides = array<i32>} : memref<528xi32, #tpu.memory_space<vmem>>, vector<16xi32>, vector<16xi1>
        tpu.vector_store %arg9[%swap3A_598], %add3A_597 masked %ge3A_592 {strides = array<i32>} : memref<528xi32, #tpu.memory_space<vmem>>, vector<16xi32>, vector<16xi1>
        %all_reduce_population_count3A_600 = tpu.all_reduce %ge3A_592 {dim = 0 : i64, kind = #tpu.reduction_kind<sum>} : vector<16xi1> -> vector<16xi32>
        %slice3A_601 = vector.extract_strided_slice %all_reduce_population_count3A_600 {offsets = [0], sizes = [1], strides = [1]} : vector<16xi32> to vector<1xi32>
        %squeeze3A_602 = vector.extract %slice3A_601[0] : i32 from vector<1xi32>
        %add3A_603 = arith.addi %add3A_590, %squeeze3A_602 : i32
        %ge3A_604 = vector.broadcast %reduce_min3A_238 : f32 to vector<16xf32>
        %ge3A_605 = arith.cmpf oge, %get3A_214, %ge3A_604 : vector<16xf32>
        %swap3A_606 = arith.index_cast %add3A_603 : i32 to index
        %swap3A_607 = tpu.vector_load %arg8[%swap3A_606] masked %ge3A_605 {strides = array<i32>} : memref<528xf32, #tpu.memory_space<vmem>>, vector<16xf32>, vector<16xi1>
        tpu.vector_store %arg8[%swap3A_606], %get3A_214 masked %ge3A_605 {strides = array<i32>} : memref<528xf32, #tpu.memory_space<vmem>>, vector<16xf32>, vector<16xi1>
        %add3A_608 = arith.constant 448 : i32
        %add3A_609 = vector.broadcast %add3A_608 : i32 to vector<16xi32>
        %add3A_610 = arith.addi %iota3A, %add3A_609 : vector<16xi32>
        %swap3A_611 = arith.index_cast %add3A_603 : i32 to index
        %swap3A_612 = tpu.vector_load %arg9[%swap3A_611] masked %ge3A_605 {strides = array<i32>} : memref<528xi32, #tpu.memory_space<vmem>>, vector<16xi32>, vector<16xi1>
        tpu.vector_store %arg9[%swap3A_611], %add3A_610 masked %ge3A_605 {strides = array<i32>} : memref<528xi32, #tpu.memory_space<vmem>>, vector<16xi32>, vector<16xi1>
        %all_reduce_population_count3A_613 = tpu.all_reduce %ge3A_605 {dim = 0 : i64, kind = #tpu.reduction_kind<sum>} : vector<16xi1> -> vector<16xi32>
        %slice3A_614 = vector.extract_strided_slice %all_reduce_population_count3A_613 {offsets = [0], sizes = [1], strides = [1]} : vector<16xi32> to vector<1xi32>
        %squeeze3A_615 = vector.extract %slice3A_614[0] : i32 from vector<1xi32>
        %add3A_616 = arith.addi %add3A_603, %squeeze3A_615 : i32
        %ge3A_617 = vector.broadcast %reduce_min3A_238 : f32 to vector<16xf32>
        %ge3A_618 = arith.cmpf oge, %get3A_220, %ge3A_617 : vector<16xf32>
        %swap3A_619 = arith.index_cast %add3A_616 : i32 to index
        %swap3A_620 = tpu.vector_load %arg8[%swap3A_619] masked %ge3A_618 {strides = array<i32>} : memref<528xf32, #tpu.memory_space<vmem>>, vector<16xf32>, vector<16xi1>
        tpu.vector_store %arg8[%swap3A_619], %get3A_220 masked %ge3A_618 {strides = array<i32>} : memref<528xf32, #tpu.memory_space<vmem>>, vector<16xf32>, vector<16xi1>
        %add3A_621 = arith.constant 464 : i32
        %add3A_622 = vector.broadcast %add3A_621 : i32 to vector<16xi32>
        %add3A_623 = arith.addi %iota3A, %add3A_622 : vector<16xi32>
        %swap3A_624 = arith.index_cast %add3A_616 : i32 to index
        %swap3A_625 = tpu.vector_load %arg9[%swap3A_624] masked %ge3A_618 {strides = array<i32>} : memref<528xi32, #tpu.memory_space<vmem>>, vector<16xi32>, vector<16xi1>
        tpu.vector_store %arg9[%swap3A_624], %add3A_623 masked %ge3A_618 {strides = array<i32>} : memref<528xi32, #tpu.memory_space<vmem>>, vector<16xi32>, vector<16xi1>
        %all_reduce_population_count3A_626 = tpu.all_reduce %ge3A_618 {dim = 0 : i64, kind = #tpu.reduction_kind<sum>} : vector<16xi1> -> vector<16xi32>
        %slice3A_627 = vector.extract_strided_slice %all_reduce_population_count3A_626 {offsets = [0], sizes = [1], strides = [1]} : vector<16xi32> to vector<1xi32>
        %squeeze3A_628 = vector.extract %slice3A_627[0] : i32 from vector<1xi32>
        %add3A_629 = arith.addi %add3A_616, %squeeze3A_628 : i32
        %ge3A_630 = vector.broadcast %reduce_min3A_238 : f32 to vector<16xf32>
        %ge3A_631 = arith.cmpf oge, %get3A_226, %ge3A_630 : vector<16xf32>
        %swap3A_632 = arith.index_cast %add3A_629 : i32 to index
        %swap3A_633 = tpu.vector_load %arg8[%swap3A_632] masked %ge3A_631 {strides = array<i32>} : memref<528xf32, #tpu.memory_space<vmem>>, vector<16xf32>, vector<16xi1>
        tpu.vector_store %arg8[%swap3A_632], %get3A_226 masked %ge3A_631 {strides = array<i32>} : memref<528xf32, #tpu.memory_space<vmem>>, vector<16xf32>, vector<16xi1>
        %add3A_634 = arith.constant 480 : i32
        %add3A_635 = vector.broadcast %add3A_634 : i32 to vector<16xi32>
        %add3A_636 = arith.addi %iota3A, %add3A_635 : vector<16xi32>
        %swap3A_637 = arith.index_cast %add3A_629 : i32 to index
        %swap3A_638 = tpu.vector_load %arg9[%swap3A_637] masked %ge3A_631 {strides = array<i32>} : memref<528xi32, #tpu.memory_space<vmem>>, vector<16xi32>, vector<16xi1>
        tpu.vector_store %arg9[%swap3A_637], %add3A_636 masked %ge3A_631 {strides = array<i32>} : memref<528xi32, #tpu.memory_space<vmem>>, vector<16xi32>, vector<16xi1>
        %all_reduce_population_count3A_639 = tpu.all_reduce %ge3A_631 {dim = 0 : i64, kind = #tpu.reduction_kind<sum>} : vector<16xi1> -> vector<16xi32>
        %slice3A_640 = vector.extract_strided_slice %all_reduce_population_count3A_639 {offsets = [0], sizes = [1], strides = [1]} : vector<16xi32> to vector<1xi32>
        %squeeze3A_641 = vector.extract %slice3A_640[0] : i32 from vector<1xi32>
        %add3A_642 = arith.addi %add3A_629, %squeeze3A_641 : i32
        %ge3A_643 = vector.broadcast %reduce_min3A_238 : f32 to vector<16xf32>
        %ge3A_644 = arith.cmpf oge, %get3A_232, %ge3A_643 : vector<16xf32>
        %swap3A_645 = arith.index_cast %add3A_642 : i32 to index
        %swap3A_646 = tpu.vector_load %arg8[%swap3A_645] masked %ge3A_644 {strides = array<i32>} : memref<528xf32, #tpu.memory_space<vmem>>, vector<16xf32>, vector<16xi1>
        tpu.vector_store %arg8[%swap3A_645], %get3A_232 masked %ge3A_644 {strides = array<i32>} : memref<528xf32, #tpu.memory_space<vmem>>, vector<16xf32>, vector<16xi1>
        %add3A_647 = arith.constant 496 : i32
        %add3A_648 = vector.broadcast %add3A_647 : i32 to vector<16xi32>
        %add3A_649 = arith.addi %iota3A, %add3A_648 : vector<16xi32>
        %swap3A_650 = arith.index_cast %add3A_642 : i32 to index
        %swap3A_651 = tpu.vector_load %arg9[%swap3A_650] masked %ge3A_644 {strides = array<i32>} : memref<528xi32, #tpu.memory_space<vmem>>, vector<16xi32>, vector<16xi1>
        tpu.vector_store %arg9[%swap3A_650], %add3A_649 masked %ge3A_644 {strides = array<i32>} : memref<528xi32, #tpu.memory_space<vmem>>, vector<16xi32>, vector<16xi1>
        %all_reduce_population_count3A_652 = tpu.all_reduce %ge3A_644 {dim = 0 : i64, kind = #tpu.reduction_kind<sum>} : vector<16xi1> -> vector<16xi32>
        %slice3A_653 = vector.extract_strided_slice %all_reduce_population_count3A_652 {offsets = [0], sizes = [1], strides = [1]} : vector<16xi32> to vector<1xi32>
        %squeeze3A_654 = vector.extract %slice3A_653[0] : i32 from vector<1xi32>
        %add3A_655 = arith.addi %add3A_642, %squeeze3A_654 : i32
        %broadcast_in_dim3A_656 = arith.constant -3.000000e+38 : f32
        %broadcast_in_dim3A_657 = vector.broadcast %broadcast_in_dim3A_656 : f32 to vector<16xf32>
        %broadcast_in_dim3A_658 = arith.constant 0 : i32
        %broadcast_in_dim3A_659 = vector.broadcast %broadcast_in_dim3A_658 : i32 to vector<16xi32>
        %add3A_660 = arith.constant 16 : i32
        %add3A_661 = arith.addi %add3A_655, %add3A_660 : i32
        %sub3A_662 = arith.constant 1 : i32
        %sub3A_663 = arith.subi %add3A_661, %sub3A_662 : i32
        %jit3A_664 = arith.constant 16 : i32
        %div3A_665 = arith.divsi %sub3A_663, %jit3A_664 : i32
        %sign3A_666 = arith.constant 0 : i32
        %sign3A_667 = arith.cmpi sgt, %sub3A_663, %sign3A_666 : i32
        %sign3A_668 = arith.extui %sign3A_667 : i1 to i32
        %sign3A_669 = arith.constant 0 : i32
        %sign3A_670 = arith.cmpi slt, %sub3A_663, %sign3A_669 : i32
        %sign3A_671 = arith.extui %sign3A_670 : i1 to i32
        %sign3A_672 = arith.subi %sign3A_668, %sign3A_671 : i32
        %sign3A_673 = arith.constant 0 : i32
        %sign3A_674 = arith.cmpi sgt, %jit3A_664, %sign3A_673 : i32
        %sign3A_675 = arith.extui %sign3A_674 : i1 to i32
        %sign3A_676 = arith.constant 0 : i32
        %sign3A_677 = arith.cmpi slt, %jit3A_664, %sign3A_676 : i32
        %sign3A_678 = arith.extui %sign3A_677 : i1 to i32
        %sign3A_679 = arith.subi %sign3A_675, %sign3A_678 : i32
        %ne3A_680 = arith.cmpi ne, %sign3A_672, %sign3A_679 : i32
        %rem3A_681 = arith.remsi %sub3A_663, %jit3A_664 : i32
        %ne3A_682 = arith.constant 0 : i32
        %ne3A_683 = arith.cmpi ne, %rem3A_681, %ne3A_682 : i32
        %and3A_684 = arith.andi %ne3A_680, %ne3A_683 : i1
        %sub3A_685 = arith.constant 1 : i32
        %sub3A_686 = arith.subi %div3A_665, %sub3A_685 : i32
        %select_n3A_687 = arith.select %and3A_684, %sub3A_686, %div3A_665 : i32
        %while3A_688 = arith.constant 0 : i32
        %while3A_689 = arith.subi %select_n3A_687, %while3A_688 : i32
        %while3A_690 = arith.addi %while3A_688, %while3A_689 : i32
        %while3A_691 = arith.constant 1 : i32
        %while3A_692 = arith.divsi %while3A_689, %while3A_691 : i32
        %while3A_693 = arith.muli %while3A_692, %while3A_691 : i32
        %while3A_694 = arith.addi %while3A_688, %while3A_693 : i32
        %while3A_695 = arith.constant 1 : i32
        %while3A_696:2 = scf.for %while3A_717 = %while3A_688 to %while3A_694 step %while3A_695 iter_args(%while3A_718 = %broadcast_in_dim3A_657, %while3A_719 = %broadcast_in_dim3A_659) -> (vector<16xf32>, vector<16xi32>)  : i32 {
          %mul3A_720 = arith.constant 16 : i32
          %mul3A_721 = arith.muli %while3A_717, %mul3A_720 : i32
          %get3A_722 = arith.index_cast %mul3A_721 : i32 to index
          %get3A_723 = tpu.vector_load %arg8[%get3A_722] {strides = array<i32>} : memref<528xf32, #tpu.memory_space<vmem>>, vector<16xf32>,
          %mul3A_724 = arith.constant 16 : i32
          %mul3A_725 = arith.muli %while3A_717, %mul3A_724 : i32
          %get3A_726 = arith.index_cast %mul3A_725 : i32 to index
          %get3A_727 = tpu.vector_load %arg9[%get3A_726] {strides = array<i32>} : memref<528xi32, #tpu.memory_space<vmem>>, vector<16xi32>,
          %mul3A_728 = arith.constant 16 : i32
          %mul3A_729 = arith.muli %while3A_717, %mul3A_728 : i32
          %add3A_730 = vector.broadcast %mul3A_729 : i32 to vector<16xi32>
          %add3A_731 = arith.addi %add3A_730, %iota3A : vector<16xi32>
          %lt3A = vector.broadcast %add3A_655 : i32 to vector<16xi32>
          %lt3A_732 = arith.cmpi slt, %add3A_731, %lt3A : vector<16xi32>
          %jit3A_733 = arith.constant -3.000000e+38 : f32
          %broadcast_in_dim3A_734 = vector.broadcast %jit3A_733 : f32 to vector<16xf32>
          %select_n3A_735 = arith.select %lt3A_732, %get3A_723, %broadcast_in_dim3A_734 : vector<16xi1>, vector<16xf32>
          %masked_sort3A = arith.constant dense<true> : vector<16xi1>
          %masked_sort3A_736, %masked_sort3A_737, %masked_sort3A_738 = tpu.sort %select_n3A_735, %get3A_727 masked %masked_sort3A {descending = true} : (vector<16xf32>, vector<16xi32>, vector<16xi1>) -> (vector<16xi1>, vector<16xf32>, vector<16xi32>)
          %ge3A_739 = arith.cmpf oge, %masked_sort3A_737, %while3A_718 : vector<16xf32>
          %select_n3A_740 = arith.select %ge3A_739, %masked_sort3A_737, %while3A_718 : vector<16xi1>, vector<16xf32>
          %select_n3A_741 = arith.select %ge3A_739, %masked_sort3A_738, %while3A_719 : vector<16xi1>, vector<16xi32>
          %masked_sort3A_742 = arith.constant dense<true> : vector<16xi1>
          %masked_sort3A_743, %masked_sort3A_744, %masked_sort3A_745 = tpu.sort %select_n3A_740, %select_n3A_741 masked %masked_sort3A_742 : (vector<16xf32>, vector<16xi32>, vector<16xi1>) -> (vector<16xi1>, vector<16xf32>, vector<16xi32>)
          scf.yield %masked_sort3A_744, %masked_sort3A_745 : vector<16xf32>, vector<16xi32>
        }
        %while3A_697 = arith.constant 1 : i32
        %while3A_698:2 = scf.for %while3A_717 = %while3A_694 to %while3A_690 step %while3A_697 iter_args(%while3A_718 = %while3A_696#0, %while3A_719 = %while3A_696#1) -> (vector<16xf32>, vector<16xi32>)  : i32 {
          %mul3A_720 = arith.constant 16 : i32
          %mul3A_721 = arith.muli %while3A_717, %mul3A_720 : i32
          %get3A_722 = arith.index_cast %mul3A_721 : i32 to index
          %get3A_723 = tpu.vector_load %arg8[%get3A_722] {strides = array<i32>} : memref<528xf32, #tpu.memory_space<vmem>>, vector<16xf32>,
          %mul3A_724 = arith.constant 16 : i32
          %mul3A_725 = arith.muli %while3A_717, %mul3A_724 : i32
          %get3A_726 = arith.index_cast %mul3A_725 : i32 to index
          %get3A_727 = tpu.vector_load %arg9[%get3A_726] {strides = array<i32>} : memref<528xi32, #tpu.memory_space<vmem>>, vector<16xi32>,
          %mul3A_728 = arith.constant 16 : i32
          %mul3A_729 = arith.muli %while3A_717, %mul3A_728 : i32
          %add3A_730 = vector.broadcast %mul3A_729 : i32 to vector<16xi32>
          %add3A_731 = arith.addi %add3A_730, %iota3A : vector<16xi32>
          %lt3A = vector.broadcast %add3A_655 : i32 to vector<16xi32>
          %lt3A_732 = arith.cmpi slt, %add3A_731, %lt3A : vector<16xi32>
          %jit3A_733 = arith.constant -3.000000e+38 : f32
          %broadcast_in_dim3A_734 = vector.broadcast %jit3A_733 : f32 to vector<16xf32>
          %select_n3A_735 = arith.select %lt3A_732, %get3A_723, %broadcast_in_dim3A_734 : vector<16xi1>, vector<16xf32>
          %masked_sort3A = arith.constant dense<true> : vector<16xi1>
          %masked_sort3A_736, %masked_sort3A_737, %masked_sort3A_738 = tpu.sort %select_n3A_735, %get3A_727 masked %masked_sort3A {descending = true} : (vector<16xf32>, vector<16xi32>, vector<16xi1>) -> (vector<16xi1>, vector<16xf32>, vector<16xi32>)
          %ge3A_739 = arith.cmpf oge, %masked_sort3A_737, %while3A_718 : vector<16xf32>
          %select_n3A_740 = arith.select %ge3A_739, %masked_sort3A_737, %while3A_718 : vector<16xi1>, vector<16xf32>
          %select_n3A_741 = arith.select %ge3A_739, %masked_sort3A_738, %while3A_719 : vector<16xi1>, vector<16xi32>
          %masked_sort3A_742 = arith.constant dense<true> : vector<16xi1>
          %masked_sort3A_743, %masked_sort3A_744, %masked_sort3A_745 = tpu.sort %select_n3A_740, %select_n3A_741 masked %masked_sort3A_742 : (vector<16xf32>, vector<16xi32>, vector<16xi1>) -> (vector<16xi1>, vector<16xf32>, vector<16xi32>)
          scf.yield %masked_sort3A_744, %masked_sort3A_745 : vector<16xf32>, vector<16xi32>
        }
        %exp3A_699 = math.exp %while3A_698#0 : vector<16xf32>
        %div3A_700 = vector.broadcast %reduce_sum3A_241 : f32 to vector<16xf32>
        %div3A_701 = arith.divf %exp3A_699, %div3A_700 : vector<16xf32>
        %rev3A = arith.constant 15 : i32
        %rev3A_702 = vector.broadcast %rev3A : i32 to vector<16xi32>
        %rev3A_703 = tpu.iota {dimensions = array<i32: 0>} : vector<16xi32>
        %rev3A_704 = arith.subi %rev3A_702, %rev3A_703 : vector<16xi32>
        %rev3A_705 = tpu.dynamic_gather %div3A_701[%rev3A_704] in [0] : vector<16xf32>, vector<16xi32> -> vector<16xf32>
        %swap3A_706 = arith.index_cast %scan3A_43 : i32 to index
        %swap3A_707 = arith.constant 0 : index
        %swap3A_708 = tpu.vector_load %arg6[%swap3A_706, %swap3A_707] {strides = array<i32>} : memref<40x16xf32, #tpu.memory_space<vmem>>, vector<16xf32>,
        tpu.vector_store %arg6[%swap3A_706, %swap3A_707], %rev3A_705 {strides = array<i32>} : memref<40x16xf32, #tpu.memory_space<vmem>>, vector<16xf32>,
        %rev3A_709 = arith.constant 15 : i32
        %rev3A_710 = vector.broadcast %rev3A_709 : i32 to vector<16xi32>
        %rev3A_711 = tpu.iota {dimensions = array<i32: 0>} : vector<16xi32>
        %rev3A_712 = arith.subi %rev3A_710, %rev3A_711 : vector<16xi32>
        %rev3A_713 = tpu.dynamic_gather %while3A_698#1[%rev3A_712] in [0] : vector<16xi32>, vector<16xi32> -> vector<16xi32>
        %swap3A_714 = arith.index_cast %scan3A_43 : i32 to index
        %swap3A_715 = arith.constant 0 : index
        %swap3A_716 = tpu.vector_load %arg7[%swap3A_714, %swap3A_715] {strides = array<i32>} : memref<40x16xi32, #tpu.memory_space<vmem>>, vector<16xi32>,
        tpu.vector_store %arg7[%swap3A_714, %swap3A_715], %rev3A_713 {strides = array<i32>} : memref<40x16xi32, #tpu.memory_space<vmem>>, vector<16xi32>,
      }
      %scan3A_42 = arith.constant 40 : i32
      "tpu.region"() ({
        %run_scoped3A = tpu.sem_alloc : memref<!tpu.dma_semaphore, #tpu.memory_space<semaphore_mem>>
        %dma_start3A = arith.constant 0 : i32
        %dma_start3A_43 = tpu.memref_slice %arg3[%mul3A_37, %dma_start3A] : memref<20000x16xf32, #tpu.memory_space<hbm>> -> memref<40x16xf32, #tpu.memory_space<hbm>>
        %dma_start3A_44 = arith.constant 0 : i32
        %dma_start3A_45 = tpu.memref_slice %arg3[%mul3A_37, %dma_start3A_44] : memref<20000x16xf32, #tpu.memory_space<hbm>> -> memref<40x16xf32, #tpu.memory_space<hbm>>
        tpu.enqueue_dma source(%arg6 : memref<40x16xf32, #tpu.memory_space<vmem>>) target(%dma_start3A_45 : memref<40x16xf32, #tpu.memory_space<hbm>>) target_semaphore(%run_scoped3A : memref<!tpu.dma_semaphore, #tpu.memory_space<semaphore_mem>>)
        %dma_wait3A = arith.constant 0 : i32
        %dma_wait3A_46 = tpu.memref_slice %arg3[%mul3A_37, %dma_wait3A] : memref<20000x16xf32, #tpu.memory_space<hbm>> -> memref<40x16xf32, #tpu.memory_space<hbm>>
        %dma_wait3A_47 = arith.constant 0 : i32
        %dma_wait3A_48 = tpu.memref_slice %arg3[%mul3A_37, %dma_wait3A_47] : memref<20000x16xf32, #tpu.memory_space<hbm>> -> memref<40x16xf32, #tpu.memory_space<hbm>>
        tpu.wait_dma2 semaphore(%run_scoped3A : memref<!tpu.dma_semaphore, #tpu.memory_space<semaphore_mem>>) src(%arg6 : memref<40x16xf32, #tpu.memory_space<vmem>>) dst(%dma_wait3A_48 : memref<40x16xf32, #tpu.memory_space<hbm>>)
        tpu.yield
      }) : () -> ()
      "tpu.region"() ({
        %run_scoped3A = tpu.sem_alloc : memref<!tpu.dma_semaphore, #tpu.memory_space<semaphore_mem>>
        %dma_start3A = arith.constant 0 : i32
        %dma_start3A_43 = tpu.memref_slice %arg4[%mul3A_37, %dma_start3A] : memref<20000x16xi32, #tpu.memory_space<hbm>> -> memref<40x16xi32, #tpu.memory_space<hbm>>
        %dma_start3A_44 = arith.constant 0 : i32
        %dma_start3A_45 = tpu.memref_slice %arg4[%mul3A_37, %dma_start3A_44] : memref<20000x16xi32, #tpu.memory_space<hbm>> -> memref<40x16xi32, #tpu.memory_space<hbm>>
        tpu.enqueue_dma source(%arg7 : memref<40x16xi32, #tpu.memory_space<vmem>>) target(%dma_start3A_45 : memref<40x16xi32, #tpu.memory_space<hbm>>) target_semaphore(%run_scoped3A : memref<!tpu.dma_semaphore, #tpu.memory_space<semaphore_mem>>)
        %dma_wait3A = arith.constant 0 : i32
        %dma_wait3A_46 = tpu.memref_slice %arg4[%mul3A_37, %dma_wait3A] : memref<20000x16xi32, #tpu.memory_space<hbm>> -> memref<40x16xi32, #tpu.memory_space<hbm>>
        %dma_wait3A_47 = arith.constant 0 : i32
        %dma_wait3A_48 = tpu.memref_slice %arg4[%mul3A_37, %dma_wait3A_47] : memref<20000x16xi32, #tpu.memory_space<hbm>> -> memref<40x16xi32, #tpu.memory_space<hbm>>
        tpu.wait_dma2 semaphore(%run_scoped3A : memref<!tpu.dma_semaphore, #tpu.memory_space<semaphore_mem>>) src(%arg7 : memref<40x16xi32, #tpu.memory_space<vmem>>) dst(%dma_wait3A_48 : memref<40x16xi32, #tpu.memory_space<hbm>>)
        tpu.yield
      }) : () -> ()
    }
    %while3A_31 = arith.constant 1 : i32
    scf.for %while3A_32 = %while3A_29 to %while3A_25 step %while3A_31  : i32 {
      %mul3A_33 = arith.constant 32 : i32
      %mul3A_34 = arith.muli %while3A_32, %mul3A_33 : i32
      %add3A_35 = arith.addi %add3A, %mul3A_34 : i32
      %mul3A_36 = arith.constant 40 : i32
      %mul3A_37 = arith.muli %add3A_35, %mul3A_36 : i32
      "tpu.region"() ({
        %run_scoped3A = tpu.sem_alloc : memref<!tpu.dma_semaphore, #tpu.memory_space<semaphore_mem>>
        %dma_start3A = arith.constant 0 : i32
        %dma_start3A_43 = tpu.memref_slice %arg2[%mul3A_37, %dma_start3A] : memref<20000x512xf32, #tpu.memory_space<hbm>> -> memref<40x512xf32, #tpu.memory_space<hbm>>
        %dma_start3A_44 = arith.constant 0 : i32
        %dma_start3A_45 = tpu.memref_slice %arg2[%mul3A_37, %dma_start3A_44] : memref<20000x512xf32, #tpu.memory_space<hbm>> -> memref<40x512xf32, #tpu.memory_space<hbm>>
        tpu.enqueue_dma source(%dma_start3A_45 : memref<40x512xf32, #tpu.memory_space<hbm>>) target(%arg5 : memref<40x512xf32, #tpu.memory_space<vmem>>) target_semaphore(%run_scoped3A : memref<!tpu.dma_semaphore, #tpu.memory_space<semaphore_mem>>)
        %dma_wait3A = arith.constant 0 : i32
        %dma_wait3A_46 = tpu.memref_slice %arg2[%mul3A_37, %dma_wait3A] : memref<20000x512xf32, #tpu.memory_space<hbm>> -> memref<40x512xf32, #tpu.memory_space<hbm>>
        %dma_wait3A_47 = arith.constant 0 : i32
        %dma_wait3A_48 = tpu.memref_slice %arg2[%mul3A_37, %dma_wait3A_47] : memref<20000x512xf32, #tpu.memory_space<hbm>> -> memref<40x512xf32, #tpu.memory_space<hbm>>
        tpu.wait_dma2 semaphore(%run_scoped3A : memref<!tpu.dma_semaphore, #tpu.memory_space<semaphore_mem>>) src(%dma_wait3A_48 : memref<40x512xf32, #tpu.memory_space<hbm>>) dst(%arg5 : memref<40x512xf32, #tpu.memory_space<vmem>>)
        tpu.yield
      }) : () -> ()
      %scan3A = arith.constant 0 : i32
      %scan3A_38 = arith.constant 0 : i32
      %scan3A_39 = arith.constant 40 : i32
      %scan3A_40 = arith.addi %scan3A_38, %scan3A_39 : i32
      %scan3A_41 = arith.constant 1 : i32
      scf.for %scan3A_43 = %scan3A_38 to %scan3A_40 step %scan3A_41  : i32 {
        %broadcast_in_dim3A = arith.constant 0.000000e+00 : f32
        %broadcast_in_dim3A_44 = vector.broadcast %broadcast_in_dim3A : f32 to vector<16xf32>
        %broadcast_in_dim3A_45 = arith.constant -3.000000e+38 : f32
        %broadcast_in_dim3A_46 = vector.broadcast %broadcast_in_dim3A_45 : f32 to vector<16xf32>
        %get3A = arith.index_cast %scan3A_43 : i32 to index
        %get3A_47 = arith.constant 0 : index
        %get3A_48 = tpu.vector_load %arg5[%get3A, %get3A_47] {strides = array<i32>} : memref<40x512xf32, #tpu.memory_space<vmem>>, vector<16xf32>,
        %exp3A = math.exp %get3A_48 : vector<16xf32>
        %add3A_49 = arith.addf %broadcast_in_dim3A_44, %exp3A : vector<16xf32>
        %max3A = arith.maximumf %broadcast_in_dim3A_46, %get3A_48 : vector<16xf32>
        %get3A_50 = arith.index_cast %scan3A_43 : i32 to index
        %get3A_51 = arith.constant 16 : index
        %get3A_52 = tpu.vector_load %arg5[%get3A_50, %get3A_51] {strides = array<i32>} : memref<40x512xf32, #tpu.memory_space<vmem>>, vector<16xf32>,
        %exp3A_53 = math.exp %get3A_52 : vector<16xf32>
        %add3A_54 = arith.addf %add3A_49, %exp3A_53 : vector<16xf32>
        %max3A_55 = arith.maximumf %max3A, %get3A_52 : vector<16xf32>
        %get3A_56 = arith.index_cast %scan3A_43 : i32 to index
        %get3A_57 = arith.constant 32 : index
        %get3A_58 = tpu.vector_load %arg5[%get3A_56, %get3A_57] {strides = array<i32>} : memref<40x512xf32, #tpu.memory_space<vmem>>, vector<16xf32>,
        %exp3A_59 = math.exp %get3A_58 : vector<16xf32>
        %add3A_60 = arith.addf %add3A_54, %exp3A_59 : vector<16xf32>
        %max3A_61 = arith.maximumf %max3A_55, %get3A_58 : vector<16xf32>
        %get3A_62 = arith.index_cast %scan3A_43 : i32 to index
        %get3A_63 = arith.constant 48 : index
        %get3A_64 = tpu.vector_load %arg5[%get3A_62, %get3A_63] {strides = array<i32>} : memref<40x512xf32, #tpu.memory_space<vmem>>, vector<16xf32>,
        %exp3A_65 = math.exp %get3A_64 : vector<16xf32>
        %add3A_66 = arith.addf %add3A_60, %exp3A_65 : vector<16xf32>
        %max3A_67 = arith.maximumf %max3A_61, %get3A_64 : vector<16xf32>
        %get3A_68 = arith.index_cast %scan3A_43 : i32 to index
        %get3A_69 = arith.constant 64 : index
        %get3A_70 = tpu.vector_load %arg5[%get3A_68, %get3A_69] {strides = array<i32>} : memref<40x512xf32, #tpu.memory_space<vmem>>, vector<16xf32>,
        %exp3A_71 = math.exp %get3A_70 : vector<16xf32>
        %add3A_72 = arith.addf %add3A_66, %exp3A_71 : vector<16xf32>
        %max3A_73 = arith.maximumf %max3A_67, %get3A_70 : vector<16xf32>
        %get3A_74 = arith.index_cast %scan3A_43 : i32 to index
        %get3A_75 = arith.constant 80 : index
        %get3A_76 = tpu.vector_load %arg5[%get3A_74, %get3A_75] {strides = array<i32>} : memref<40x512xf32, #tpu.memory_space<vmem>>, vector<16xf32>,
        %exp3A_77 = math.exp %get3A_76 : vector<16xf32>
        %add3A_78 = arith.addf %add3A_72, %exp3A_77 : vector<16xf32>
        %max3A_79 = arith.maximumf %max3A_73, %get3A_76 : vector<16xf32>
        %get3A_80 = arith.index_cast %scan3A_43 : i32 to index
        %get3A_81 = arith.constant 96 : index
        %get3A_82 = tpu.vector_load %arg5[%get3A_80, %get3A_81] {strides = array<i32>} : memref<40x512xf32, #tpu.memory_space<vmem>>, vector<16xf32>,
        %exp3A_83 = math.exp %get3A_82 : vector<16xf32>
        %add3A_84 = arith.addf %add3A_78, %exp3A_83 : vector<16xf32>
        %max3A_85 = arith.maximumf %max3A_79, %get3A_82 : vector<16xf32>
        %get3A_86 = arith.index_cast %scan3A_43 : i32 to index
        %get3A_87 = arith.constant 112 : index
        %get3A_88 = tpu.vector_load %arg5[%get3A_86, %get3A_87] {strides = array<i32>} : memref<40x512xf32, #tpu.memory_space<vmem>>, vector<16xf32>,
        %exp3A_89 = math.exp %get3A_88 : vector<16xf32>
        %add3A_90 = arith.addf %add3A_84, %exp3A_89 : vector<16xf32>
        %max3A_91 = arith.maximumf %max3A_85, %get3A_88 : vector<16xf32>
        %get3A_92 = arith.index_cast %scan3A_43 : i32 to index
        %get3A_93 = arith.constant 128 : index
        %get3A_94 = tpu.vector_load %arg5[%get3A_92, %get3A_93] {strides = array<i32>} : memref<40x512xf32, #tpu.memory_space<vmem>>, vector<16xf32>,
        %exp3A_95 = math.exp %get3A_94 : vector<16xf32>
        %add3A_96 = arith.addf %add3A_90, %exp3A_95 : vector<16xf32>
        %max3A_97 = arith.maximumf %max3A_91, %get3A_94 : vector<16xf32>
        %get3A_98 = arith.index_cast %scan3A_43 : i32 to index
        %get3A_99 = arith.constant 144 : index
        %get3A_100 = tpu.vector_load %arg5[%get3A_98, %get3A_99] {strides = array<i32>} : memref<40x512xf32, #tpu.memory_space<vmem>>, vector<16xf32>,
        %exp3A_101 = math.exp %get3A_100 : vector<16xf32>
        %add3A_102 = arith.addf %add3A_96, %exp3A_101 : vector<16xf32>
        %max3A_103 = arith.maximumf %max3A_97, %get3A_100 : vector<16xf32>
        %get3A_104 = arith.index_cast %scan3A_43 : i32 to index
        %get3A_105 = arith.constant 160 : index
        %get3A_106 = tpu.vector_load %arg5[%get3A_104, %get3A_105] {strides = array<i32>} : memref<40x512xf32, #tpu.memory_space<vmem>>, vector<16xf32>,
        %exp3A_107 = math.exp %get3A_106 : vector<16xf32>
        %add3A_108 = arith.addf %add3A_102, %exp3A_107 : vector<16xf32>
        %max3A_109 = arith.maximumf %max3A_103, %get3A_106 : vector<16xf32>
        %get3A_110 = arith.index_cast %scan3A_43 : i32 to index
        %get3A_111 = arith.constant 176 : index
        %get3A_112 = tpu.vector_load %arg5[%get3A_110, %get3A_111] {strides = array<i32>} : memref<40x512xf32, #tpu.memory_space<vmem>>, vector<16xf32>,
        %exp3A_113 = math.exp %get3A_112 : vector<16xf32>
        %add3A_114 = arith.addf %add3A_108, %exp3A_113 : vector<16xf32>
        %max3A_115 = arith.maximumf %max3A_109, %get3A_112 : vector<16xf32>
        %get3A_116 = arith.index_cast %scan3A_43 : i32 to index
        %get3A_117 = arith.constant 192 : index
        %get3A_118 = tpu.vector_load %arg5[%get3A_116, %get3A_117] {strides = array<i32>} : memref<40x512xf32, #tpu.memory_space<vmem>>, vector<16xf32>,
        %exp3A_119 = math.exp %get3A_118 : vector<16xf32>
        %add3A_120 = arith.addf %add3A_114, %exp3A_119 : vector<16xf32>
        %max3A_121 = arith.maximumf %max3A_115, %get3A_118 : vector<16xf32>
        %get3A_122 = arith.index_cast %scan3A_43 : i32 to index
        %get3A_123 = arith.constant 208 : index
        %get3A_124 = tpu.vector_load %arg5[%get3A_122, %get3A_123] {strides = array<i32>} : memref<40x512xf32, #tpu.memory_space<vmem>>, vector<16xf32>,
        %exp3A_125 = math.exp %get3A_124 : vector<16xf32>
        %add3A_126 = arith.addf %add3A_120, %exp3A_125 : vector<16xf32>
        %max3A_127 = arith.maximumf %max3A_121, %get3A_124 : vector<16xf32>
        %get3A_128 = arith.index_cast %scan3A_43 : i32 to index
        %get3A_129 = arith.constant 224 : index
        %get3A_130 = tpu.vector_load %arg5[%get3A_128, %get3A_129] {strides = array<i32>} : memref<40x512xf32, #tpu.memory_space<vmem>>, vector<16xf32>,
        %exp3A_131 = math.exp %get3A_130 : vector<16xf32>
        %add3A_132 = arith.addf %add3A_126, %exp3A_131 : vector<16xf32>
        %max3A_133 = arith.maximumf %max3A_127, %get3A_130 : vector<16xf32>
        %get3A_134 = arith.index_cast %scan3A_43 : i32 to index
        %get3A_135 = arith.constant 240 : index
        %get3A_136 = tpu.vector_load %arg5[%get3A_134, %get3A_135] {strides = array<i32>} : memref<40x512xf32, #tpu.memory_space<vmem>>, vector<16xf32>,
        %exp3A_137 = math.exp %get3A_136 : vector<16xf32>
        %add3A_138 = arith.addf %add3A_132, %exp3A_137 : vector<16xf32>
        %max3A_139 = arith.maximumf %max3A_133, %get3A_136 : vector<16xf32>
        %get3A_140 = arith.index_cast %scan3A_43 : i32 to index
        %get3A_141 = arith.constant 256 : index
        %get3A_142 = tpu.vector_load %arg5[%get3A_140, %get3A_141] {strides = array<i32>} : memref<40x512xf32, #tpu.memory_space<vmem>>, vector<16xf32>,
        %exp3A_143 = math.exp %get3A_142 : vector<16xf32>
        %add3A_144 = arith.addf %add3A_138, %exp3A_143 : vector<16xf32>
        %max3A_145 = arith.maximumf %max3A_139, %get3A_142 : vector<16xf32>
        %get3A_146 = arith.index_cast %scan3A_43 : i32 to index
        %get3A_147 = arith.constant 272 : index
        %get3A_148 = tpu.vector_load %arg5[%get3A_146, %get3A_147] {strides = array<i32>} : memref<40x512xf32, #tpu.memory_space<vmem>>, vector<16xf32>,
        %exp3A_149 = math.exp %get3A_148 : vector<16xf32>
        %add3A_150 = arith.addf %add3A_144, %exp3A_149 : vector<16xf32>
        %max3A_151 = arith.maximumf %max3A_145, %get3A_148 : vector<16xf32>
        %get3A_152 = arith.index_cast %scan3A_43 : i32 to index
        %get3A_153 = arith.constant 288 : index
        %get3A_154 = tpu.vector_load %arg5[%get3A_152, %get3A_153] {strides = array<i32>} : memref<40x512xf32, #tpu.memory_space<vmem>>, vector<16xf32>,
        %exp3A_155 = math.exp %get3A_154 : vector<16xf32>
        %add3A_156 = arith.addf %add3A_150, %exp3A_155 : vector<16xf32>
        %max3A_157 = arith.maximumf %max3A_151, %get3A_154 : vector<16xf32>
        %get3A_158 = arith.index_cast %scan3A_43 : i32 to index
        %get3A_159 = arith.constant 304 : index
        %get3A_160 = tpu.vector_load %arg5[%get3A_158, %get3A_159] {strides = array<i32>} : memref<40x512xf32, #tpu.memory_space<vmem>>, vector<16xf32>,
        %exp3A_161 = math.exp %get3A_160 : vector<16xf32>
        %add3A_162 = arith.addf %add3A_156, %exp3A_161 : vector<16xf32>
        %max3A_163 = arith.maximumf %max3A_157, %get3A_160 : vector<16xf32>
        %get3A_164 = arith.index_cast %scan3A_43 : i32 to index
        %get3A_165 = arith.constant 320 : index
        %get3A_166 = tpu.vector_load %arg5[%get3A_164, %get3A_165] {strides = array<i32>} : memref<40x512xf32, #tpu.memory_space<vmem>>, vector<16xf32>,
        %exp3A_167 = math.exp %get3A_166 : vector<16xf32>
        %add3A_168 = arith.addf %add3A_162, %exp3A_167 : vector<16xf32>
        %max3A_169 = arith.maximumf %max3A_163, %get3A_166 : vector<16xf32>
        %get3A_170 = arith.index_cast %scan3A_43 : i32 to index
        %get3A_171 = arith.constant 336 : index
        %get3A_172 = tpu.vector_load %arg5[%get3A_170, %get3A_171] {strides = array<i32>} : memref<40x512xf32, #tpu.memory_space<vmem>>, vector<16xf32>,
        %exp3A_173 = math.exp %get3A_172 : vector<16xf32>
        %add3A_174 = arith.addf %add3A_168, %exp3A_173 : vector<16xf32>
        %max3A_175 = arith.maximumf %max3A_169, %get3A_172 : vector<16xf32>
        %get3A_176 = arith.index_cast %scan3A_43 : i32 to index
        %get3A_177 = arith.constant 352 : index
        %get3A_178 = tpu.vector_load %arg5[%get3A_176, %get3A_177] {strides = array<i32>} : memref<40x512xf32, #tpu.memory_space<vmem>>, vector<16xf32>,
        %exp3A_179 = math.exp %get3A_178 : vector<16xf32>
        %add3A_180 = arith.addf %add3A_174, %exp3A_179 : vector<16xf32>
        %max3A_181 = arith.maximumf %max3A_175, %get3A_178 : vector<16xf32>
        %get3A_182 = arith.index_cast %scan3A_43 : i32 to index
        %get3A_183 = arith.constant 368 : index
        %get3A_184 = tpu.vector_load %arg5[%get3A_182, %get3A_183] {strides = array<i32>} : memref<40x512xf32, #tpu.memory_space<vmem>>, vector<16xf32>,
        %exp3A_185 = math.exp %get3A_184 : vector<16xf32>
        %add3A_186 = arith.addf %add3A_180, %exp3A_185 : vector<16xf32>
        %max3A_187 = arith.maximumf %max3A_181, %get3A_184 : vector<16xf32>
        %get3A_188 = arith.index_cast %scan3A_43 : i32 to index
        %get3A_189 = arith.constant 384 : index
        %get3A_190 = tpu.vector_load %arg5[%get3A_188, %get3A_189] {strides = array<i32>} : memref<40x512xf32, #tpu.memory_space<vmem>>, vector<16xf32>,
        %exp3A_191 = math.exp %get3A_190 : vector<16xf32>
        %add3A_192 = arith.addf %add3A_186, %exp3A_191 : vector<16xf32>
        %max3A_193 = arith.maximumf %max3A_187, %get3A_190 : vector<16xf32>
        %get3A_194 = arith.index_cast %scan3A_43 : i32 to index
        %get3A_195 = arith.constant 400 : index
        %get3A_196 = tpu.vector_load %arg5[%get3A_194, %get3A_195] {strides = array<i32>} : memref<40x512xf32, #tpu.memory_space<vmem>>, vector<16xf32>,
        %exp3A_197 = math.exp %get3A_196 : vector<16xf32>
        %add3A_198 = arith.addf %add3A_192, %exp3A_197 : vector<16xf32>
        %max3A_199 = arith.maximumf %max3A_193, %get3A_196 : vector<16xf32>
        %get3A_200 = arith.index_cast %scan3A_43 : i32 to index
        %get3A_201 = arith.constant 416 : index
        %get3A_202 = tpu.vector_load %arg5[%get3A_200, %get3A_201] {strides = array<i32>} : memref<40x512xf32, #tpu.memory_space<vmem>>, vector<16xf32>,
        %exp3A_203 = math.exp %get3A_202 : vector<16xf32>
        %add3A_204 = arith.addf %add3A_198, %exp3A_203 : vector<16xf32>
        %max3A_205 = arith.maximumf %max3A_199, %get3A_202 : vector<16xf32>
        %get3A_206 = arith.index_cast %scan3A_43 : i32 to index
        %get3A_207 = arith.constant 432 : index
        %get3A_208 = tpu.vector_load %arg5[%get3A_206, %get3A_207] {strides = array<i32>} : memref<40x512xf32, #tpu.memory_space<vmem>>, vector<16xf32>,
        %exp3A_209 = math.exp %get3A_208 : vector<16xf32>
        %add3A_210 = arith.addf %add3A_204, %exp3A_209 : vector<16xf32>
        %max3A_211 = arith.maximumf %max3A_205, %get3A_208 : vector<16xf32>
        %get3A_212 = arith.index_cast %scan3A_43 : i32 to index
        %get3A_213 = arith.constant 448 : index
        %get3A_214 = tpu.vector_load %arg5[%get3A_212, %get3A_213] {strides = array<i32>} : memref<40x512xf32, #tpu.memory_space<vmem>>, vector<16xf32>,
        %exp3A_215 = math.exp %get3A_214 : vector<16xf32>
        %add3A_216 = arith.addf %add3A_210, %exp3A_215 : vector<16xf32>
        %max3A_217 = arith.maximumf %max3A_211, %get3A_214 : vector<16xf32>
        %get3A_218 = arith.index_cast %scan3A_43 : i32 to index
        %get3A_219 = arith.constant 464 : index
        %get3A_220 = tpu.vector_load %arg5[%get3A_218, %get3A_219] {strides = array<i32>} : memref<40x512xf32, #tpu.memory_space<vmem>>, vector<16xf32>,
        %exp3A_221 = math.exp %get3A_220 : vector<16xf32>
        %add3A_222 = arith.addf %add3A_216, %exp3A_221 : vector<16xf32>
        %max3A_223 = arith.maximumf %max3A_217, %get3A_220 : vector<16xf32>
        %get3A_224 = arith.index_cast %scan3A_43 : i32 to index
        %get3A_225 = arith.constant 480 : index
        %get3A_226 = tpu.vector_load %arg5[%get3A_224, %get3A_225] {strides = array<i32>} : memref<40x512xf32, #tpu.memory_space<vmem>>, vector<16xf32>,
        %exp3A_227 = math.exp %get3A_226 : vector<16xf32>
        %add3A_228 = arith.addf %add3A_222, %exp3A_227 : vector<16xf32>
        %max3A_229 = arith.maximumf %max3A_223, %get3A_226 : vector<16xf32>
        %get3A_230 = arith.index_cast %scan3A_43 : i32 to index
        %get3A_231 = arith.constant 496 : index
        %get3A_232 = tpu.vector_load %arg5[%get3A_230, %get3A_231] {strides = array<i32>} : memref<40x512xf32, #tpu.memory_space<vmem>>, vector<16xf32>,
        %exp3A_233 = math.exp %get3A_232 : vector<16xf32>
        %add3A_234 = arith.addf %add3A_228, %exp3A_233 : vector<16xf32>
        %max3A_235 = arith.maximumf %max3A_229, %get3A_232 : vector<16xf32>
        %reduce_min3A = arith.constant true
        %reduce_min3A_236 = vector.broadcast %reduce_min3A : i1 to vector<16xi1>
        %reduce_min3A_237 = tpu.scan <min>, %max3A_235 masked %reduce_min3A_236 : vector<16xf32>, vector<16xi1> -> vector<16xf32>
        %reduce_min3A_238 = vector.extract %reduce_min3A_237[15] : f32 from vector<16xf32>
        %reduce_sum3A = arith.constant true
        %reduce_sum3A_239 = vector.broadcast %reduce_sum3A : i1 to vector<16xi1>
        %reduce_sum3A_240 = tpu.scan <sum>, %add3A_234 masked %reduce_sum3A_239 : vector<16xf32>, vector<16xi1> -> vector<16xf32>
        %reduce_sum3A_241 = vector.extract %reduce_sum3A_240[15] : f32 from vector<16xf32>
        %ge3A = vector.broadcast %reduce_min3A_238 : f32 to vector<16xf32>
        %ge3A_242 = arith.cmpf oge, %get3A_48, %ge3A : vector<16xf32>
        %swap3A = arith.constant 0 : i32
        %swap3A_243 = arith.index_cast %swap3A : i32 to index
        %swap3A_244 = tpu.vector_load %arg8[%swap3A_243] masked %ge3A_242 {strides = array<i32>} : memref<528xf32, #tpu.memory_space<vmem>>, vector<16xf32>, vector<16xi1>
        tpu.vector_store %arg8[%swap3A_243], %get3A_48 masked %ge3A_242 {strides = array<i32>} : memref<528xf32, #tpu.memory_space<vmem>>, vector<16xf32>, vector<16xi1>
        %add3A_245 = arith.constant 0 : i32
        %add3A_246 = vector.broadcast %add3A_245 : i32 to vector<16xi32>
        %add3A_247 = arith.addi %iota3A, %add3A_246 : vector<16xi32>
        %swap3A_248 = arith.constant 0 : i32
        %swap3A_249 = arith.index_cast %swap3A_248 : i32 to index
        %swap3A_250 = tpu.vector_load %arg9[%swap3A_249] masked %ge3A_242 {strides = array<i32>} : memref<528xi32, #tpu.memory_space<vmem>>, vector<16xi32>, vector<16xi1>
        tpu.vector_store %arg9[%swap3A_249], %add3A_247 masked %ge3A_242 {strides = array<i32>} : memref<528xi32, #tpu.memory_space<vmem>>, vector<16xi32>, vector<16xi1>
        %all_reduce_population_count3A = tpu.all_reduce %ge3A_242 {dim = 0 : i64, kind = #tpu.reduction_kind<sum>} : vector<16xi1> -> vector<16xi32>
        %slice3A = vector.extract_strided_slice %all_reduce_population_count3A {offsets = [0], sizes = [1], strides = [1]} : vector<16xi32> to vector<1xi32>
        %squeeze3A = vector.extract %slice3A[0] : i32 from vector<1xi32>
        %add3A_251 = arith.constant 0 : i32
        %add3A_252 = arith.addi %add3A_251, %squeeze3A : i32
        %ge3A_253 = vector.broadcast %reduce_min3A_238 : f32 to vector<16xf32>
        %ge3A_254 = arith.cmpf oge, %get3A_52, %ge3A_253 : vector<16xf32>
        %swap3A_255 = arith.index_cast %add3A_252 : i32 to index
        %swap3A_256 = tpu.vector_load %arg8[%swap3A_255] masked %ge3A_254 {strides = array<i32>} : memref<528xf32, #tpu.memory_space<vmem>>, vector<16xf32>, vector<16xi1>
        tpu.vector_store %arg8[%swap3A_255], %get3A_52 masked %ge3A_254 {strides = array<i32>} : memref<528xf32, #tpu.memory_space<vmem>>, vector<16xf32>, vector<16xi1>
        %add3A_257 = arith.constant 16 : i32
        %add3A_258 = vector.broadcast %add3A_257 : i32 to vector<16xi32>
        %add3A_259 = arith.addi %iota3A, %add3A_258 : vector<16xi32>
        %swap3A_260 = arith.index_cast %add3A_252 : i32 to index
        %swap3A_261 = tpu.vector_load %arg9[%swap3A_260] masked %ge3A_254 {strides = array<i32>} : memref<528xi32, #tpu.memory_space<vmem>>, vector<16xi32>, vector<16xi1>
        tpu.vector_store %arg9[%swap3A_260], %add3A_259 masked %ge3A_254 {strides = array<i32>} : memref<528xi32, #tpu.memory_space<vmem>>, vector<16xi32>, vector<16xi1>
        %all_reduce_population_count3A_262 = tpu.all_reduce %ge3A_254 {dim = 0 : i64, kind = #tpu.reduction_kind<sum>} : vector<16xi1> -> vector<16xi32>
        %slice3A_263 = vector.extract_strided_slice %all_reduce_population_count3A_262 {offsets = [0], sizes = [1], strides = [1]} : vector<16xi32> to vector<1xi32>
        %squeeze3A_264 = vector.extract %slice3A_263[0] : i32 from vector<1xi32>
        %add3A_265 = arith.addi %add3A_252, %squeeze3A_264 : i32
        %ge3A_266 = vector.broadcast %reduce_min3A_238 : f32 to vector<16xf32>
        %ge3A_267 = arith.cmpf oge, %get3A_58, %ge3A_266 : vector<16xf32>
        %swap3A_268 = arith.index_cast %add3A_265 : i32 to index
        %swap3A_269 = tpu.vector_load %arg8[%swap3A_268] masked %ge3A_267 {strides = array<i32>} : memref<528xf32, #tpu.memory_space<vmem>>, vector<16xf32>, vector<16xi1>
        tpu.vector_store %arg8[%swap3A_268], %get3A_58 masked %ge3A_267 {strides = array<i32>} : memref<528xf32, #tpu.memory_space<vmem>>, vector<16xf32>, vector<16xi1>
        %add3A_270 = arith.constant 32 : i32
        %add3A_271 = vector.broadcast %add3A_270 : i32 to vector<16xi32>
        %add3A_272 = arith.addi %iota3A, %add3A_271 : vector<16xi32>
        %swap3A_273 = arith.index_cast %add3A_265 : i32 to index
        %swap3A_274 = tpu.vector_load %arg9[%swap3A_273] masked %ge3A_267 {strides = array<i32>} : memref<528xi32, #tpu.memory_space<vmem>>, vector<16xi32>, vector<16xi1>
        tpu.vector_store %arg9[%swap3A_273], %add3A_272 masked %ge3A_267 {strides = array<i32>} : memref<528xi32, #tpu.memory_space<vmem>>, vector<16xi32>, vector<16xi1>
        %all_reduce_population_count3A_275 = tpu.all_reduce %ge3A_267 {dim = 0 : i64, kind = #tpu.reduction_kind<sum>} : vector<16xi1> -> vector<16xi32>
        %slice3A_276 = vector.extract_strided_slice %all_reduce_population_count3A_275 {offsets = [0], sizes = [1], strides = [1]} : vector<16xi32> to vector<1xi32>
        %squeeze3A_277 = vector.extract %slice3A_276[0] : i32 from vector<1xi32>
        %add3A_278 = arith.addi %add3A_265, %squeeze3A_277 : i32
        %ge3A_279 = vector.broadcast %reduce_min3A_238 : f32 to vector<16xf32>
        %ge3A_280 = arith.cmpf oge, %get3A_64, %ge3A_279 : vector<16xf32>
        %swap3A_281 = arith.index_cast %add3A_278 : i32 to index
        %swap3A_282 = tpu.vector_load %arg8[%swap3A_281] masked %ge3A_280 {strides = array<i32>} : memref<528xf32, #tpu.memory_space<vmem>>, vector<16xf32>, vector<16xi1>
        tpu.vector_store %arg8[%swap3A_281], %get3A_64 masked %ge3A_280 {strides = array<i32>} : memref<528xf32, #tpu.memory_space<vmem>>, vector<16xf32>, vector<16xi1>
        %add3A_283 = arith.constant 48 : i32
        %add3A_284 = vector.broadcast %add3A_283 : i32 to vector<16xi32>
        %add3A_285 = arith.addi %iota3A, %add3A_284 : vector<16xi32>
        %swap3A_286 = arith.index_cast %add3A_278 : i32 to index
        %swap3A_287 = tpu.vector_load %arg9[%swap3A_286] masked %ge3A_280 {strides = array<i32>} : memref<528xi32, #tpu.memory_space<vmem>>, vector<16xi32>, vector<16xi1>
        tpu.vector_store %arg9[%swap3A_286], %add3A_285 masked %ge3A_280 {strides = array<i32>} : memref<528xi32, #tpu.memory_space<vmem>>, vector<16xi32>, vector<16xi1>
        %all_reduce_population_count3A_288 = tpu.all_reduce %ge3A_280 {dim = 0 : i64, kind = #tpu.reduction_kind<sum>} : vector<16xi1> -> vector<16xi32>
        %slice3A_289 = vector.extract_strided_slice %all_reduce_population_count3A_288 {offsets = [0], sizes = [1], strides = [1]} : vector<16xi32> to vector<1xi32>
        %squeeze3A_290 = vector.extract %slice3A_289[0] : i32 from vector<1xi32>
        %add3A_291 = arith.addi %add3A_278, %squeeze3A_290 : i32
        %ge3A_292 = vector.broadcast %reduce_min3A_238 : f32 to vector<16xf32>
        %ge3A_293 = arith.cmpf oge, %get3A_70, %ge3A_292 : vector<16xf32>
        %swap3A_294 = arith.index_cast %add3A_291 : i32 to index
        %swap3A_295 = tpu.vector_load %arg8[%swap3A_294] masked %ge3A_293 {strides = array<i32>} : memref<528xf32, #tpu.memory_space<vmem>>, vector<16xf32>, vector<16xi1>
        tpu.vector_store %arg8[%swap3A_294], %get3A_70 masked %ge3A_293 {strides = array<i32>} : memref<528xf32, #tpu.memory_space<vmem>>, vector<16xf32>, vector<16xi1>
        %add3A_296 = arith.constant 64 : i32
        %add3A_297 = vector.broadcast %add3A_296 : i32 to vector<16xi32>
        %add3A_298 = arith.addi %iota3A, %add3A_297 : vector<16xi32>
        %swap3A_299 = arith.index_cast %add3A_291 : i32 to index
        %swap3A_300 = tpu.vector_load %arg9[%swap3A_299] masked %ge3A_293 {strides = array<i32>} : memref<528xi32, #tpu.memory_space<vmem>>, vector<16xi32>, vector<16xi1>
        tpu.vector_store %arg9[%swap3A_299], %add3A_298 masked %ge3A_293 {strides = array<i32>} : memref<528xi32, #tpu.memory_space<vmem>>, vector<16xi32>, vector<16xi1>
        %all_reduce_population_count3A_301 = tpu.all_reduce %ge3A_293 {dim = 0 : i64, kind = #tpu.reduction_kind<sum>} : vector<16xi1> -> vector<16xi32>
        %slice3A_302 = vector.extract_strided_slice %all_reduce_population_count3A_301 {offsets = [0], sizes = [1], strides = [1]} : vector<16xi32> to vector<1xi32>
        %squeeze3A_303 = vector.extract %slice3A_302[0] : i32 from vector<1xi32>
        %add3A_304 = arith.addi %add3A_291, %squeeze3A_303 : i32
        %ge3A_305 = vector.broadcast %reduce_min3A_238 : f32 to vector<16xf32>
        %ge3A_306 = arith.cmpf oge, %get3A_76, %ge3A_305 : vector<16xf32>
        %swap3A_307 = arith.index_cast %add3A_304 : i32 to index
        %swap3A_308 = tpu.vector_load %arg8[%swap3A_307] masked %ge3A_306 {strides = array<i32>} : memref<528xf32, #tpu.memory_space<vmem>>, vector<16xf32>, vector<16xi1>
        tpu.vector_store %arg8[%swap3A_307], %get3A_76 masked %ge3A_306 {strides = array<i32>} : memref<528xf32, #tpu.memory_space<vmem>>, vector<16xf32>, vector<16xi1>
        %add3A_309 = arith.constant 80 : i32
        %add3A_310 = vector.broadcast %add3A_309 : i32 to vector<16xi32>
        %add3A_311 = arith.addi %iota3A, %add3A_310 : vector<16xi32>
        %swap3A_312 = arith.index_cast %add3A_304 : i32 to index
        %swap3A_313 = tpu.vector_load %arg9[%swap3A_312] masked %ge3A_306 {strides = array<i32>} : memref<528xi32, #tpu.memory_space<vmem>>, vector<16xi32>, vector<16xi1>
        tpu.vector_store %arg9[%swap3A_312], %add3A_311 masked %ge3A_306 {strides = array<i32>} : memref<528xi32, #tpu.memory_space<vmem>>, vector<16xi32>, vector<16xi1>
        %all_reduce_population_count3A_314 = tpu.all_reduce %ge3A_306 {dim = 0 : i64, kind = #tpu.reduction_kind<sum>} : vector<16xi1> -> vector<16xi32>
        %slice3A_315 = vector.extract_strided_slice %all_reduce_population_count3A_314 {offsets = [0], sizes = [1], strides = [1]} : vector<16xi32> to vector<1xi32>
        %squeeze3A_316 = vector.extract %slice3A_315[0] : i32 from vector<1xi32>
        %add3A_317 = arith.addi %add3A_304, %squeeze3A_316 : i32
        %ge3A_318 = vector.broadcast %reduce_min3A_238 : f32 to vector<16xf32>
        %ge3A_319 = arith.cmpf oge, %get3A_82, %ge3A_318 : vector<16xf32>
        %swap3A_320 = arith.index_cast %add3A_317 : i32 to index
        %swap3A_321 = tpu.vector_load %arg8[%swap3A_320] masked %ge3A_319 {strides = array<i32>} : memref<528xf32, #tpu.memory_space<vmem>>, vector<16xf32>, vector<16xi1>
        tpu.vector_store %arg8[%swap3A_320], %get3A_82 masked %ge3A_319 {strides = array<i32>} : memref<528xf32, #tpu.memory_space<vmem>>, vector<16xf32>, vector<16xi1>
        %add3A_322 = arith.constant 96 : i32
        %add3A_323 = vector.broadcast %add3A_322 : i32 to vector<16xi32>
        %add3A_324 = arith.addi %iota3A, %add3A_323 : vector<16xi32>
        %swap3A_325 = arith.index_cast %add3A_317 : i32 to index
        %swap3A_326 = tpu.vector_load %arg9[%swap3A_325] masked %ge3A_319 {strides = array<i32>} : memref<528xi32, #tpu.memory_space<vmem>>, vector<16xi32>, vector<16xi1>
        tpu.vector_store %arg9[%swap3A_325], %add3A_324 masked %ge3A_319 {strides = array<i32>} : memref<528xi32, #tpu.memory_space<vmem>>, vector<16xi32>, vector<16xi1>
        %all_reduce_population_count3A_327 = tpu.all_reduce %ge3A_319 {dim = 0 : i64, kind = #tpu.reduction_kind<sum>} : vector<16xi1> -> vector<16xi32>
        %slice3A_328 = vector.extract_strided_slice %all_reduce_population_count3A_327 {offsets = [0], sizes = [1], strides = [1]} : vector<16xi32> to vector<1xi32>
        %squeeze3A_329 = vector.extract %slice3A_328[0] : i32 from vector<1xi32>
        %add3A_330 = arith.addi %add3A_317, %squeeze3A_329 : i32
        %ge3A_331 = vector.broadcast %reduce_min3A_238 : f32 to vector<16xf32>
        %ge3A_332 = arith.cmpf oge, %get3A_88, %ge3A_331 : vector<16xf32>
        %swap3A_333 = arith.index_cast %add3A_330 : i32 to index
        %swap3A_334 = tpu.vector_load %arg8[%swap3A_333] masked %ge3A_332 {strides = array<i32>} : memref<528xf32, #tpu.memory_space<vmem>>, vector<16xf32>, vector<16xi1>
        tpu.vector_store %arg8[%swap3A_333], %get3A_88 masked %ge3A_332 {strides = array<i32>} : memref<528xf32, #tpu.memory_space<vmem>>, vector<16xf32>, vector<16xi1>
        %add3A_335 = arith.constant 112 : i32
        %add3A_336 = vector.broadcast %add3A_335 : i32 to vector<16xi32>
        %add3A_337 = arith.addi %iota3A, %add3A_336 : vector<16xi32>
        %swap3A_338 = arith.index_cast %add3A_330 : i32 to index
        %swap3A_339 = tpu.vector_load %arg9[%swap3A_338] masked %ge3A_332 {strides = array<i32>} : memref<528xi32, #tpu.memory_space<vmem>>, vector<16xi32>, vector<16xi1>
        tpu.vector_store %arg9[%swap3A_338], %add3A_337 masked %ge3A_332 {strides = array<i32>} : memref<528xi32, #tpu.memory_space<vmem>>, vector<16xi32>, vector<16xi1>
        %all_reduce_population_count3A_340 = tpu.all_reduce %ge3A_332 {dim = 0 : i64, kind = #tpu.reduction_kind<sum>} : vector<16xi1> -> vector<16xi32>
        %slice3A_341 = vector.extract_strided_slice %all_reduce_population_count3A_340 {offsets = [0], sizes = [1], strides = [1]} : vector<16xi32> to vector<1xi32>
        %squeeze3A_342 = vector.extract %slice3A_341[0] : i32 from vector<1xi32>
        %add3A_343 = arith.addi %add3A_330, %squeeze3A_342 : i32
        %ge3A_344 = vector.broadcast %reduce_min3A_238 : f32 to vector<16xf32>
        %ge3A_345 = arith.cmpf oge, %get3A_94, %ge3A_344 : vector<16xf32>
        %swap3A_346 = arith.index_cast %add3A_343 : i32 to index
        %swap3A_347 = tpu.vector_load %arg8[%swap3A_346] masked %ge3A_345 {strides = array<i32>} : memref<528xf32, #tpu.memory_space<vmem>>, vector<16xf32>, vector<16xi1>
        tpu.vector_store %arg8[%swap3A_346], %get3A_94 masked %ge3A_345 {strides = array<i32>} : memref<528xf32, #tpu.memory_space<vmem>>, vector<16xf32>, vector<16xi1>
        %add3A_348 = arith.constant 128 : i32
        %add3A_349 = vector.broadcast %add3A_348 : i32 to vector<16xi32>
        %add3A_350 = arith.addi %iota3A, %add3A_349 : vector<16xi32>
        %swap3A_351 = arith.index_cast %add3A_343 : i32 to index
        %swap3A_352 = tpu.vector_load %arg9[%swap3A_351] masked %ge3A_345 {strides = array<i32>} : memref<528xi32, #tpu.memory_space<vmem>>, vector<16xi32>, vector<16xi1>
        tpu.vector_store %arg9[%swap3A_351], %add3A_350 masked %ge3A_345 {strides = array<i32>} : memref<528xi32, #tpu.memory_space<vmem>>, vector<16xi32>, vector<16xi1>
        %all_reduce_population_count3A_353 = tpu.all_reduce %ge3A_345 {dim = 0 : i64, kind = #tpu.reduction_kind<sum>} : vector<16xi1> -> vector<16xi32>
        %slice3A_354 = vector.extract_strided_slice %all_reduce_population_count3A_353 {offsets = [0], sizes = [1], strides = [1]} : vector<16xi32> to vector<1xi32>
        %squeeze3A_355 = vector.extract %slice3A_354[0] : i32 from vector<1xi32>
        %add3A_356 = arith.addi %add3A_343, %squeeze3A_355 : i32
        %ge3A_357 = vector.broadcast %reduce_min3A_238 : f32 to vector<16xf32>
        %ge3A_358 = arith.cmpf oge, %get3A_100, %ge3A_357 : vector<16xf32>
        %swap3A_359 = arith.index_cast %add3A_356 : i32 to index
        %swap3A_360 = tpu.vector_load %arg8[%swap3A_359] masked %ge3A_358 {strides = array<i32>} : memref<528xf32, #tpu.memory_space<vmem>>, vector<16xf32>, vector<16xi1>
        tpu.vector_store %arg8[%swap3A_359], %get3A_100 masked %ge3A_358 {strides = array<i32>} : memref<528xf32, #tpu.memory_space<vmem>>, vector<16xf32>, vector<16xi1>
        %add3A_361 = arith.constant 144 : i32
        %add3A_362 = vector.broadcast %add3A_361 : i32 to vector<16xi32>
        %add3A_363 = arith.addi %iota3A, %add3A_362 : vector<16xi32>
        %swap3A_364 = arith.index_cast %add3A_356 : i32 to index
        %swap3A_365 = tpu.vector_load %arg9[%swap3A_364] masked %ge3A_358 {strides = array<i32>} : memref<528xi32, #tpu.memory_space<vmem>>, vector<16xi32>, vector<16xi1>
        tpu.vector_store %arg9[%swap3A_364], %add3A_363 masked %ge3A_358 {strides = array<i32>} : memref<528xi32, #tpu.memory_space<vmem>>, vector<16xi32>, vector<16xi1>
        %all_reduce_population_count3A_366 = tpu.all_reduce %ge3A_358 {dim = 0 : i64, kind = #tpu.reduction_kind<sum>} : vector<16xi1> -> vector<16xi32>
        %slice3A_367 = vector.extract_strided_slice %all_reduce_population_count3A_366 {offsets = [0], sizes = [1], strides = [1]} : vector<16xi32> to vector<1xi32>
        %squeeze3A_368 = vector.extract %slice3A_367[0] : i32 from vector<1xi32>
        %add3A_369 = arith.addi %add3A_356, %squeeze3A_368 : i32
        %ge3A_370 = vector.broadcast %reduce_min3A_238 : f32 to vector<16xf32>
        %ge3A_371 = arith.cmpf oge, %get3A_106, %ge3A_370 : vector<16xf32>
        %swap3A_372 = arith.index_cast %add3A_369 : i32 to index
        %swap3A_373 = tpu.vector_load %arg8[%swap3A_372] masked %ge3A_371 {strides = array<i32>} : memref<528xf32, #tpu.memory_space<vmem>>, vector<16xf32>, vector<16xi1>
        tpu.vector_store %arg8[%swap3A_372], %get3A_106 masked %ge3A_371 {strides = array<i32>} : memref<528xf32, #tpu.memory_space<vmem>>, vector<16xf32>, vector<16xi1>
        %add3A_374 = arith.constant 160 : i32
        %add3A_375 = vector.broadcast %add3A_374 : i32 to vector<16xi32>
        %add3A_376 = arith.addi %iota3A, %add3A_375 : vector<16xi32>
        %swap3A_377 = arith.index_cast %add3A_369 : i32 to index
        %swap3A_378 = tpu.vector_load %arg9[%swap3A_377] masked %ge3A_371 {strides = array<i32>} : memref<528xi32, #tpu.memory_space<vmem>>, vector<16xi32>, vector<16xi1>
        tpu.vector_store %arg9[%swap3A_377], %add3A_376 masked %ge3A_371 {strides = array<i32>} : memref<528xi32, #tpu.memory_space<vmem>>, vector<16xi32>, vector<16xi1>
        %all_reduce_population_count3A_379 = tpu.all_reduce %ge3A_371 {dim = 0 : i64, kind = #tpu.reduction_kind<sum>} : vector<16xi1> -> vector<16xi32>
        %slice3A_380 = vector.extract_strided_slice %all_reduce_population_count3A_379 {offsets = [0], sizes = [1], strides = [1]} : vector<16xi32> to vector<1xi32>
        %squeeze3A_381 = vector.extract %slice3A_380[0] : i32 from vector<1xi32>
        %add3A_382 = arith.addi %add3A_369, %squeeze3A_381 : i32
        %ge3A_383 = vector.broadcast %reduce_min3A_238 : f32 to vector<16xf32>
        %ge3A_384 = arith.cmpf oge, %get3A_112, %ge3A_383 : vector<16xf32>
        %swap3A_385 = arith.index_cast %add3A_382 : i32 to index
        %swap3A_386 = tpu.vector_load %arg8[%swap3A_385] masked %ge3A_384 {strides = array<i32>} : memref<528xf32, #tpu.memory_space<vmem>>, vector<16xf32>, vector<16xi1>
        tpu.vector_store %arg8[%swap3A_385], %get3A_112 masked %ge3A_384 {strides = array<i32>} : memref<528xf32, #tpu.memory_space<vmem>>, vector<16xf32>, vector<16xi1>
        %add3A_387 = arith.constant 176 : i32
        %add3A_388 = vector.broadcast %add3A_387 : i32 to vector<16xi32>
        %add3A_389 = arith.addi %iota3A, %add3A_388 : vector<16xi32>
        %swap3A_390 = arith.index_cast %add3A_382 : i32 to index
        %swap3A_391 = tpu.vector_load %arg9[%swap3A_390] masked %ge3A_384 {strides = array<i32>} : memref<528xi32, #tpu.memory_space<vmem>>, vector<16xi32>, vector<16xi1>
        tpu.vector_store %arg9[%swap3A_390], %add3A_389 masked %ge3A_384 {strides = array<i32>} : memref<528xi32, #tpu.memory_space<vmem>>, vector<16xi32>, vector<16xi1>
        %all_reduce_population_count3A_392 = tpu.all_reduce %ge3A_384 {dim = 0 : i64, kind = #tpu.reduction_kind<sum>} : vector<16xi1> -> vector<16xi32>
        %slice3A_393 = vector.extract_strided_slice %all_reduce_population_count3A_392 {offsets = [0], sizes = [1], strides = [1]} : vector<16xi32> to vector<1xi32>
        %squeeze3A_394 = vector.extract %slice3A_393[0] : i32 from vector<1xi32>
        %add3A_395 = arith.addi %add3A_382, %squeeze3A_394 : i32
        %ge3A_396 = vector.broadcast %reduce_min3A_238 : f32 to vector<16xf32>
        %ge3A_397 = arith.cmpf oge, %get3A_118, %ge3A_396 : vector<16xf32>
        %swap3A_398 = arith.index_cast %add3A_395 : i32 to index
        %swap3A_399 = tpu.vector_load %arg8[%swap3A_398] masked %ge3A_397 {strides = array<i32>} : memref<528xf32, #tpu.memory_space<vmem>>, vector<16xf32>, vector<16xi1>
        tpu.vector_store %arg8[%swap3A_398], %get3A_118 masked %ge3A_397 {strides = array<i32>} : memref<528xf32, #tpu.memory_space<vmem>>, vector<16xf32>, vector<16xi1>
        %add3A_400 = arith.constant 192 : i32
        %add3A_401 = vector.broadcast %add3A_400 : i32 to vector<16xi32>
        %add3A_402 = arith.addi %iota3A, %add3A_401 : vector<16xi32>
        %swap3A_403 = arith.index_cast %add3A_395 : i32 to index
        %swap3A_404 = tpu.vector_load %arg9[%swap3A_403] masked %ge3A_397 {strides = array<i32>} : memref<528xi32, #tpu.memory_space<vmem>>, vector<16xi32>, vector<16xi1>
        tpu.vector_store %arg9[%swap3A_403], %add3A_402 masked %ge3A_397 {strides = array<i32>} : memref<528xi32, #tpu.memory_space<vmem>>, vector<16xi32>, vector<16xi1>
        %all_reduce_population_count3A_405 = tpu.all_reduce %ge3A_397 {dim = 0 : i64, kind = #tpu.reduction_kind<sum>} : vector<16xi1> -> vector<16xi32>
        %slice3A_406 = vector.extract_strided_slice %all_reduce_population_count3A_405 {offsets = [0], sizes = [1], strides = [1]} : vector<16xi32> to vector<1xi32>
        %squeeze3A_407 = vector.extract %slice3A_406[0] : i32 from vector<1xi32>
        %add3A_408 = arith.addi %add3A_395, %squeeze3A_407 : i32
        %ge3A_409 = vector.broadcast %reduce_min3A_238 : f32 to vector<16xf32>
        %ge3A_410 = arith.cmpf oge, %get3A_124, %ge3A_409 : vector<16xf32>
        %swap3A_411 = arith.index_cast %add3A_408 : i32 to index
        %swap3A_412 = tpu.vector_load %arg8[%swap3A_411] masked %ge3A_410 {strides = array<i32>} : memref<528xf32, #tpu.memory_space<vmem>>, vector<16xf32>, vector<16xi1>
        tpu.vector_store %arg8[%swap3A_411], %get3A_124 masked %ge3A_410 {strides = array<i32>} : memref<528xf32, #tpu.memory_space<vmem>>, vector<16xf32>, vector<16xi1>
        %add3A_413 = arith.constant 208 : i32
        %add3A_414 = vector.broadcast %add3A_413 : i32 to vector<16xi32>
        %add3A_415 = arith.addi %iota3A, %add3A_414 : vector<16xi32>
        %swap3A_416 = arith.index_cast %add3A_408 : i32 to index
        %swap3A_417 = tpu.vector_load %arg9[%swap3A_416] masked %ge3A_410 {strides = array<i32>} : memref<528xi32, #tpu.memory_space<vmem>>, vector<16xi32>, vector<16xi1>
        tpu.vector_store %arg9[%swap3A_416], %add3A_415 masked %ge3A_410 {strides = array<i32>} : memref<528xi32, #tpu.memory_space<vmem>>, vector<16xi32>, vector<16xi1>
        %all_reduce_population_count3A_418 = tpu.all_reduce %ge3A_410 {dim = 0 : i64, kind = #tpu.reduction_kind<sum>} : vector<16xi1> -> vector<16xi32>
        %slice3A_419 = vector.extract_strided_slice %all_reduce_population_count3A_418 {offsets = [0], sizes = [1], strides = [1]} : vector<16xi32> to vector<1xi32>
        %squeeze3A_420 = vector.extract %slice3A_419[0] : i32 from vector<1xi32>
        %add3A_421 = arith.addi %add3A_408, %squeeze3A_420 : i32
        %ge3A_422 = vector.broadcast %reduce_min3A_238 : f32 to vector<16xf32>
        %ge3A_423 = arith.cmpf oge, %get3A_130, %ge3A_422 : vector<16xf32>
        %swap3A_424 = arith.index_cast %add3A_421 : i32 to index
        %swap3A_425 = tpu.vector_load %arg8[%swap3A_424] masked %ge3A_423 {strides = array<i32>} : memref<528xf32, #tpu.memory_space<vmem>>, vector<16xf32>, vector<16xi1>
        tpu.vector_store %arg8[%swap3A_424], %get3A_130 masked %ge3A_423 {strides = array<i32>} : memref<528xf32, #tpu.memory_space<vmem>>, vector<16xf32>, vector<16xi1>
        %add3A_426 = arith.constant 224 : i32
        %add3A_427 = vector.broadcast %add3A_426 : i32 to vector<16xi32>
        %add3A_428 = arith.addi %iota3A, %add3A_427 : vector<16xi32>
        %swap3A_429 = arith.index_cast %add3A_421 : i32 to index
        %swap3A_430 = tpu.vector_load %arg9[%swap3A_429] masked %ge3A_423 {strides = array<i32>} : memref<528xi32, #tpu.memory_space<vmem>>, vector<16xi32>, vector<16xi1>
        tpu.vector_store %arg9[%swap3A_429], %add3A_428 masked %ge3A_423 {strides = array<i32>} : memref<528xi32, #tpu.memory_space<vmem>>, vector<16xi32>, vector<16xi1>
        %all_reduce_population_count3A_431 = tpu.all_reduce %ge3A_423 {dim = 0 : i64, kind = #tpu.reduction_kind<sum>} : vector<16xi1> -> vector<16xi32>
        %slice3A_432 = vector.extract_strided_slice %all_reduce_population_count3A_431 {offsets = [0], sizes = [1], strides = [1]} : vector<16xi32> to vector<1xi32>
        %squeeze3A_433 = vector.extract %slice3A_432[0] : i32 from vector<1xi32>
        %add3A_434 = arith.addi %add3A_421, %squeeze3A_433 : i32
        %ge3A_435 = vector.broadcast %reduce_min3A_238 : f32 to vector<16xf32>
        %ge3A_436 = arith.cmpf oge, %get3A_136, %ge3A_435 : vector<16xf32>
        %swap3A_437 = arith.index_cast %add3A_434 : i32 to index
        %swap3A_438 = tpu.vector_load %arg8[%swap3A_437] masked %ge3A_436 {strides = array<i32>} : memref<528xf32, #tpu.memory_space<vmem>>, vector<16xf32>, vector<16xi1>
        tpu.vector_store %arg8[%swap3A_437], %get3A_136 masked %ge3A_436 {strides = array<i32>} : memref<528xf32, #tpu.memory_space<vmem>>, vector<16xf32>, vector<16xi1>
        %add3A_439 = arith.constant 240 : i32
        %add3A_440 = vector.broadcast %add3A_439 : i32 to vector<16xi32>
        %add3A_441 = arith.addi %iota3A, %add3A_440 : vector<16xi32>
        %swap3A_442 = arith.index_cast %add3A_434 : i32 to index
        %swap3A_443 = tpu.vector_load %arg9[%swap3A_442] masked %ge3A_436 {strides = array<i32>} : memref<528xi32, #tpu.memory_space<vmem>>, vector<16xi32>, vector<16xi1>
        tpu.vector_store %arg9[%swap3A_442], %add3A_441 masked %ge3A_436 {strides = array<i32>} : memref<528xi32, #tpu.memory_space<vmem>>, vector<16xi32>, vector<16xi1>
        %all_reduce_population_count3A_444 = tpu.all_reduce %ge3A_436 {dim = 0 : i64, kind = #tpu.reduction_kind<sum>} : vector<16xi1> -> vector<16xi32>
        %slice3A_445 = vector.extract_strided_slice %all_reduce_population_count3A_444 {offsets = [0], sizes = [1], strides = [1]} : vector<16xi32> to vector<1xi32>
        %squeeze3A_446 = vector.extract %slice3A_445[0] : i32 from vector<1xi32>
        %add3A_447 = arith.addi %add3A_434, %squeeze3A_446 : i32
        %ge3A_448 = vector.broadcast %reduce_min3A_238 : f32 to vector<16xf32>
        %ge3A_449 = arith.cmpf oge, %get3A_142, %ge3A_448 : vector<16xf32>
        %swap3A_450 = arith.index_cast %add3A_447 : i32 to index
        %swap3A_451 = tpu.vector_load %arg8[%swap3A_450] masked %ge3A_449 {strides = array<i32>} : memref<528xf32, #tpu.memory_space<vmem>>, vector<16xf32>, vector<16xi1>
        tpu.vector_store %arg8[%swap3A_450], %get3A_142 masked %ge3A_449 {strides = array<i32>} : memref<528xf32, #tpu.memory_space<vmem>>, vector<16xf32>, vector<16xi1>
        %add3A_452 = arith.constant 256 : i32
        %add3A_453 = vector.broadcast %add3A_452 : i32 to vector<16xi32>
        %add3A_454 = arith.addi %iota3A, %add3A_453 : vector<16xi32>
        %swap3A_455 = arith.index_cast %add3A_447 : i32 to index
        %swap3A_456 = tpu.vector_load %arg9[%swap3A_455] masked %ge3A_449 {strides = array<i32>} : memref<528xi32, #tpu.memory_space<vmem>>, vector<16xi32>, vector<16xi1>
        tpu.vector_store %arg9[%swap3A_455], %add3A_454 masked %ge3A_449 {strides = array<i32>} : memref<528xi32, #tpu.memory_space<vmem>>, vector<16xi32>, vector<16xi1>
        %all_reduce_population_count3A_457 = tpu.all_reduce %ge3A_449 {dim = 0 : i64, kind = #tpu.reduction_kind<sum>} : vector<16xi1> -> vector<16xi32>
        %slice3A_458 = vector.extract_strided_slice %all_reduce_population_count3A_457 {offsets = [0], sizes = [1], strides = [1]} : vector<16xi32> to vector<1xi32>
        %squeeze3A_459 = vector.extract %slice3A_458[0] : i32 from vector<1xi32>
        %add3A_460 = arith.addi %add3A_447, %squeeze3A_459 : i32
        %ge3A_461 = vector.broadcast %reduce_min3A_238 : f32 to vector<16xf32>
        %ge3A_462 = arith.cmpf oge, %get3A_148, %ge3A_461 : vector<16xf32>
        %swap3A_463 = arith.index_cast %add3A_460 : i32 to index
        %swap3A_464 = tpu.vector_load %arg8[%swap3A_463] masked %ge3A_462 {strides = array<i32>} : memref<528xf32, #tpu.memory_space<vmem>>, vector<16xf32>, vector<16xi1>
        tpu.vector_store %arg8[%swap3A_463], %get3A_148 masked %ge3A_462 {strides = array<i32>} : memref<528xf32, #tpu.memory_space<vmem>>, vector<16xf32>, vector<16xi1>
        %add3A_465 = arith.constant 272 : i32
        %add3A_466 = vector.broadcast %add3A_465 : i32 to vector<16xi32>
        %add3A_467 = arith.addi %iota3A, %add3A_466 : vector<16xi32>
        %swap3A_468 = arith.index_cast %add3A_460 : i32 to index
        %swap3A_469 = tpu.vector_load %arg9[%swap3A_468] masked %ge3A_462 {strides = array<i32>} : memref<528xi32, #tpu.memory_space<vmem>>, vector<16xi32>, vector<16xi1>
        tpu.vector_store %arg9[%swap3A_468], %add3A_467 masked %ge3A_462 {strides = array<i32>} : memref<528xi32, #tpu.memory_space<vmem>>, vector<16xi32>, vector<16xi1>
        %all_reduce_population_count3A_470 = tpu.all_reduce %ge3A_462 {dim = 0 : i64, kind = #tpu.reduction_kind<sum>} : vector<16xi1> -> vector<16xi32>
        %slice3A_471 = vector.extract_strided_slice %all_reduce_population_count3A_470 {offsets = [0], sizes = [1], strides = [1]} : vector<16xi32> to vector<1xi32>
        %squeeze3A_472 = vector.extract %slice3A_471[0] : i32 from vector<1xi32>
        %add3A_473 = arith.addi %add3A_460, %squeeze3A_472 : i32
        %ge3A_474 = vector.broadcast %reduce_min3A_238 : f32 to vector<16xf32>
        %ge3A_475 = arith.cmpf oge, %get3A_154, %ge3A_474 : vector<16xf32>
        %swap3A_476 = arith.index_cast %add3A_473 : i32 to index
        %swap3A_477 = tpu.vector_load %arg8[%swap3A_476] masked %ge3A_475 {strides = array<i32>} : memref<528xf32, #tpu.memory_space<vmem>>, vector<16xf32>, vector<16xi1>
        tpu.vector_store %arg8[%swap3A_476], %get3A_154 masked %ge3A_475 {strides = array<i32>} : memref<528xf32, #tpu.memory_space<vmem>>, vector<16xf32>, vector<16xi1>
        %add3A_478 = arith.constant 288 : i32
        %add3A_479 = vector.broadcast %add3A_478 : i32 to vector<16xi32>
        %add3A_480 = arith.addi %iota3A, %add3A_479 : vector<16xi32>
        %swap3A_481 = arith.index_cast %add3A_473 : i32 to index
        %swap3A_482 = tpu.vector_load %arg9[%swap3A_481] masked %ge3A_475 {strides = array<i32>} : memref<528xi32, #tpu.memory_space<vmem>>, vector<16xi32>, vector<16xi1>
        tpu.vector_store %arg9[%swap3A_481], %add3A_480 masked %ge3A_475 {strides = array<i32>} : memref<528xi32, #tpu.memory_space<vmem>>, vector<16xi32>, vector<16xi1>
        %all_reduce_population_count3A_483 = tpu.all_reduce %ge3A_475 {dim = 0 : i64, kind = #tpu.reduction_kind<sum>} : vector<16xi1> -> vector<16xi32>
        %slice3A_484 = vector.extract_strided_slice %all_reduce_population_count3A_483 {offsets = [0], sizes = [1], strides = [1]} : vector<16xi32> to vector<1xi32>
        %squeeze3A_485 = vector.extract %slice3A_484[0] : i32 from vector<1xi32>
        %add3A_486 = arith.addi %add3A_473, %squeeze3A_485 : i32
        %ge3A_487 = vector.broadcast %reduce_min3A_238 : f32 to vector<16xf32>
        %ge3A_488 = arith.cmpf oge, %get3A_160, %ge3A_487 : vector<16xf32>
        %swap3A_489 = arith.index_cast %add3A_486 : i32 to index
        %swap3A_490 = tpu.vector_load %arg8[%swap3A_489] masked %ge3A_488 {strides = array<i32>} : memref<528xf32, #tpu.memory_space<vmem>>, vector<16xf32>, vector<16xi1>
        tpu.vector_store %arg8[%swap3A_489], %get3A_160 masked %ge3A_488 {strides = array<i32>} : memref<528xf32, #tpu.memory_space<vmem>>, vector<16xf32>, vector<16xi1>
        %add3A_491 = arith.constant 304 : i32
        %add3A_492 = vector.broadcast %add3A_491 : i32 to vector<16xi32>
        %add3A_493 = arith.addi %iota3A, %add3A_492 : vector<16xi32>
        %swap3A_494 = arith.index_cast %add3A_486 : i32 to index
        %swap3A_495 = tpu.vector_load %arg9[%swap3A_494] masked %ge3A_488 {strides = array<i32>} : memref<528xi32, #tpu.memory_space<vmem>>, vector<16xi32>, vector<16xi1>
        tpu.vector_store %arg9[%swap3A_494], %add3A_493 masked %ge3A_488 {strides = array<i32>} : memref<528xi32, #tpu.memory_space<vmem>>, vector<16xi32>, vector<16xi1>
        %all_reduce_population_count3A_496 = tpu.all_reduce %ge3A_488 {dim = 0 : i64, kind = #tpu.reduction_kind<sum>} : vector<16xi1> -> vector<16xi32>
        %slice3A_497 = vector.extract_strided_slice %all_reduce_population_count3A_496 {offsets = [0], sizes = [1], strides = [1]} : vector<16xi32> to vector<1xi32>
        %squeeze3A_498 = vector.extract %slice3A_497[0] : i32 from vector<1xi32>
        %add3A_499 = arith.addi %add3A_486, %squeeze3A_498 : i32
        %ge3A_500 = vector.broadcast %reduce_min3A_238 : f32 to vector<16xf32>
        %ge3A_501 = arith.cmpf oge, %get3A_166, %ge3A_500 : vector<16xf32>
        %swap3A_502 = arith.index_cast %add3A_499 : i32 to index
        %swap3A_503 = tpu.vector_load %arg8[%swap3A_502] masked %ge3A_501 {strides = array<i32>} : memref<528xf32, #tpu.memory_space<vmem>>, vector<16xf32>, vector<16xi1>
        tpu.vector_store %arg8[%swap3A_502], %get3A_166 masked %ge3A_501 {strides = array<i32>} : memref<528xf32, #tpu.memory_space<vmem>>, vector<16xf32>, vector<16xi1>
        %add3A_504 = arith.constant 320 : i32
        %add3A_505 = vector.broadcast %add3A_504 : i32 to vector<16xi32>
        %add3A_506 = arith.addi %iota3A, %add3A_505 : vector<16xi32>
        %swap3A_507 = arith.index_cast %add3A_499 : i32 to index
        %swap3A_508 = tpu.vector_load %arg9[%swap3A_507] masked %ge3A_501 {strides = array<i32>} : memref<528xi32, #tpu.memory_space<vmem>>, vector<16xi32>, vector<16xi1>
        tpu.vector_store %arg9[%swap3A_507], %add3A_506 masked %ge3A_501 {strides = array<i32>} : memref<528xi32, #tpu.memory_space<vmem>>, vector<16xi32>, vector<16xi1>
        %all_reduce_population_count3A_509 = tpu.all_reduce %ge3A_501 {dim = 0 : i64, kind = #tpu.reduction_kind<sum>} : vector<16xi1> -> vector<16xi32>
        %slice3A_510 = vector.extract_strided_slice %all_reduce_population_count3A_509 {offsets = [0], sizes = [1], strides = [1]} : vector<16xi32> to vector<1xi32>
        %squeeze3A_511 = vector.extract %slice3A_510[0] : i32 from vector<1xi32>
        %add3A_512 = arith.addi %add3A_499, %squeeze3A_511 : i32
        %ge3A_513 = vector.broadcast %reduce_min3A_238 : f32 to vector<16xf32>
        %ge3A_514 = arith.cmpf oge, %get3A_172, %ge3A_513 : vector<16xf32>
        %swap3A_515 = arith.index_cast %add3A_512 : i32 to index
        %swap3A_516 = tpu.vector_load %arg8[%swap3A_515] masked %ge3A_514 {strides = array<i32>} : memref<528xf32, #tpu.memory_space<vmem>>, vector<16xf32>, vector<16xi1>
        tpu.vector_store %arg8[%swap3A_515], %get3A_172 masked %ge3A_514 {strides = array<i32>} : memref<528xf32, #tpu.memory_space<vmem>>, vector<16xf32>, vector<16xi1>
        %add3A_517 = arith.constant 336 : i32
        %add3A_518 = vector.broadcast %add3A_517 : i32 to vector<16xi32>
        %add3A_519 = arith.addi %iota3A, %add3A_518 : vector<16xi32>
        %swap3A_520 = arith.index_cast %add3A_512 : i32 to index
        %swap3A_521 = tpu.vector_load %arg9[%swap3A_520] masked %ge3A_514 {strides = array<i32>} : memref<528xi32, #tpu.memory_space<vmem>>, vector<16xi32>, vector<16xi1>
        tpu.vector_store %arg9[%swap3A_520], %add3A_519 masked %ge3A_514 {strides = array<i32>} : memref<528xi32, #tpu.memory_space<vmem>>, vector<16xi32>, vector<16xi1>
        %all_reduce_population_count3A_522 = tpu.all_reduce %ge3A_514 {dim = 0 : i64, kind = #tpu.reduction_kind<sum>} : vector<16xi1> -> vector<16xi32>
        %slice3A_523 = vector.extract_strided_slice %all_reduce_population_count3A_522 {offsets = [0], sizes = [1], strides = [1]} : vector<16xi32> to vector<1xi32>
        %squeeze3A_524 = vector.extract %slice3A_523[0] : i32 from vector<1xi32>
        %add3A_525 = arith.addi %add3A_512, %squeeze3A_524 : i32
        %ge3A_526 = vector.broadcast %reduce_min3A_238 : f32 to vector<16xf32>
        %ge3A_527 = arith.cmpf oge, %get3A_178, %ge3A_526 : vector<16xf32>
        %swap3A_528 = arith.index_cast %add3A_525 : i32 to index
        %swap3A_529 = tpu.vector_load %arg8[%swap3A_528] masked %ge3A_527 {strides = array<i32>} : memref<528xf32, #tpu.memory_space<vmem>>, vector<16xf32>, vector<16xi1>
        tpu.vector_store %arg8[%swap3A_528], %get3A_178 masked %ge3A_527 {strides = array<i32>} : memref<528xf32, #tpu.memory_space<vmem>>, vector<16xf32>, vector<16xi1>
        %add3A_530 = arith.constant 352 : i32
        %add3A_531 = vector.broadcast %add3A_530 : i32 to vector<16xi32>
        %add3A_532 = arith.addi %iota3A, %add3A_531 : vector<16xi32>
        %swap3A_533 = arith.index_cast %add3A_525 : i32 to index
        %swap3A_534 = tpu.vector_load %arg9[%swap3A_533] masked %ge3A_527 {strides = array<i32>} : memref<528xi32, #tpu.memory_space<vmem>>, vector<16xi32>, vector<16xi1>
        tpu.vector_store %arg9[%swap3A_533], %add3A_532 masked %ge3A_527 {strides = array<i32>} : memref<528xi32, #tpu.memory_space<vmem>>, vector<16xi32>, vector<16xi1>
        %all_reduce_population_count3A_535 = tpu.all_reduce %ge3A_527 {dim = 0 : i64, kind = #tpu.reduction_kind<sum>} : vector<16xi1> -> vector<16xi32>
        %slice3A_536 = vector.extract_strided_slice %all_reduce_population_count3A_535 {offsets = [0], sizes = [1], strides = [1]} : vector<16xi32> to vector<1xi32>
        %squeeze3A_537 = vector.extract %slice3A_536[0] : i32 from vector<1xi32>
        %add3A_538 = arith.addi %add3A_525, %squeeze3A_537 : i32
        %ge3A_539 = vector.broadcast %reduce_min3A_238 : f32 to vector<16xf32>
        %ge3A_540 = arith.cmpf oge, %get3A_184, %ge3A_539 : vector<16xf32>
        %swap3A_541 = arith.index_cast %add3A_538 : i32 to index
        %swap3A_542 = tpu.vector_load %arg8[%swap3A_541] masked %ge3A_540 {strides = array<i32>} : memref<528xf32, #tpu.memory_space<vmem>>, vector<16xf32>, vector<16xi1>
        tpu.vector_store %arg8[%swap3A_541], %get3A_184 masked %ge3A_540 {strides = array<i32>} : memref<528xf32, #tpu.memory_space<vmem>>, vector<16xf32>, vector<16xi1>
        %add3A_543 = arith.constant 368 : i32
        %add3A_544 = vector.broadcast %add3A_543 : i32 to vector<16xi32>
        %add3A_545 = arith.addi %iota3A, %add3A_544 : vector<16xi32>
        %swap3A_546 = arith.index_cast %add3A_538 : i32 to index
        %swap3A_547 = tpu.vector_load %arg9[%swap3A_546] masked %ge3A_540 {strides = array<i32>} : memref<528xi32, #tpu.memory_space<vmem>>, vector<16xi32>, vector<16xi1>
        tpu.vector_store %arg9[%swap3A_546], %add3A_545 masked %ge3A_540 {strides = array<i32>} : memref<528xi32, #tpu.memory_space<vmem>>, vector<16xi32>, vector<16xi1>
        %all_reduce_population_count3A_548 = tpu.all_reduce %ge3A_540 {dim = 0 : i64, kind = #tpu.reduction_kind<sum>} : vector<16xi1> -> vector<16xi32>
        %slice3A_549 = vector.extract_strided_slice %all_reduce_population_count3A_548 {offsets = [0], sizes = [1], strides = [1]} : vector<16xi32> to vector<1xi32>
        %squeeze3A_550 = vector.extract %slice3A_549[0] : i32 from vector<1xi32>
        %add3A_551 = arith.addi %add3A_538, %squeeze3A_550 : i32
        %ge3A_552 = vector.broadcast %reduce_min3A_238 : f32 to vector<16xf32>
        %ge3A_553 = arith.cmpf oge, %get3A_190, %ge3A_552 : vector<16xf32>
        %swap3A_554 = arith.index_cast %add3A_551 : i32 to index
        %swap3A_555 = tpu.vector_load %arg8[%swap3A_554] masked %ge3A_553 {strides = array<i32>} : memref<528xf32, #tpu.memory_space<vmem>>, vector<16xf32>, vector<16xi1>
        tpu.vector_store %arg8[%swap3A_554], %get3A_190 masked %ge3A_553 {strides = array<i32>} : memref<528xf32, #tpu.memory_space<vmem>>, vector<16xf32>, vector<16xi1>
        %add3A_556 = arith.constant 384 : i32
        %add3A_557 = vector.broadcast %add3A_556 : i32 to vector<16xi32>
        %add3A_558 = arith.addi %iota3A, %add3A_557 : vector<16xi32>
        %swap3A_559 = arith.index_cast %add3A_551 : i32 to index
        %swap3A_560 = tpu.vector_load %arg9[%swap3A_559] masked %ge3A_553 {strides = array<i32>} : memref<528xi32, #tpu.memory_space<vmem>>, vector<16xi32>, vector<16xi1>
        tpu.vector_store %arg9[%swap3A_559], %add3A_558 masked %ge3A_553 {strides = array<i32>} : memref<528xi32, #tpu.memory_space<vmem>>, vector<16xi32>, vector<16xi1>
        %all_reduce_population_count3A_561 = tpu.all_reduce %ge3A_553 {dim = 0 : i64, kind = #tpu.reduction_kind<sum>} : vector<16xi1> -> vector<16xi32>
        %slice3A_562 = vector.extract_strided_slice %all_reduce_population_count3A_561 {offsets = [0], sizes = [1], strides = [1]} : vector<16xi32> to vector<1xi32>
        %squeeze3A_563 = vector.extract %slice3A_562[0] : i32 from vector<1xi32>
        %add3A_564 = arith.addi %add3A_551, %squeeze3A_563 : i32
        %ge3A_565 = vector.broadcast %reduce_min3A_238 : f32 to vector<16xf32>
        %ge3A_566 = arith.cmpf oge, %get3A_196, %ge3A_565 : vector<16xf32>
        %swap3A_567 = arith.index_cast %add3A_564 : i32 to index
        %swap3A_568 = tpu.vector_load %arg8[%swap3A_567] masked %ge3A_566 {strides = array<i32>} : memref<528xf32, #tpu.memory_space<vmem>>, vector<16xf32>, vector<16xi1>
        tpu.vector_store %arg8[%swap3A_567], %get3A_196 masked %ge3A_566 {strides = array<i32>} : memref<528xf32, #tpu.memory_space<vmem>>, vector<16xf32>, vector<16xi1>
        %add3A_569 = arith.constant 400 : i32
        %add3A_570 = vector.broadcast %add3A_569 : i32 to vector<16xi32>
        %add3A_571 = arith.addi %iota3A, %add3A_570 : vector<16xi32>
        %swap3A_572 = arith.index_cast %add3A_564 : i32 to index
        %swap3A_573 = tpu.vector_load %arg9[%swap3A_572] masked %ge3A_566 {strides = array<i32>} : memref<528xi32, #tpu.memory_space<vmem>>, vector<16xi32>, vector<16xi1>
        tpu.vector_store %arg9[%swap3A_572], %add3A_571 masked %ge3A_566 {strides = array<i32>} : memref<528xi32, #tpu.memory_space<vmem>>, vector<16xi32>, vector<16xi1>
        %all_reduce_population_count3A_574 = tpu.all_reduce %ge3A_566 {dim = 0 : i64, kind = #tpu.reduction_kind<sum>} : vector<16xi1> -> vector<16xi32>
        %slice3A_575 = vector.extract_strided_slice %all_reduce_population_count3A_574 {offsets = [0], sizes = [1], strides = [1]} : vector<16xi32> to vector<1xi32>
        %squeeze3A_576 = vector.extract %slice3A_575[0] : i32 from vector<1xi32>
        %add3A_577 = arith.addi %add3A_564, %squeeze3A_576 : i32
        %ge3A_578 = vector.broadcast %reduce_min3A_238 : f32 to vector<16xf32>
        %ge3A_579 = arith.cmpf oge, %get3A_202, %ge3A_578 : vector<16xf32>
        %swap3A_580 = arith.index_cast %add3A_577 : i32 to index
        %swap3A_581 = tpu.vector_load %arg8[%swap3A_580] masked %ge3A_579 {strides = array<i32>} : memref<528xf32, #tpu.memory_space<vmem>>, vector<16xf32>, vector<16xi1>
        tpu.vector_store %arg8[%swap3A_580], %get3A_202 masked %ge3A_579 {strides = array<i32>} : memref<528xf32, #tpu.memory_space<vmem>>, vector<16xf32>, vector<16xi1>
        %add3A_582 = arith.constant 416 : i32
        %add3A_583 = vector.broadcast %add3A_582 : i32 to vector<16xi32>
        %add3A_584 = arith.addi %iota3A, %add3A_583 : vector<16xi32>
        %swap3A_585 = arith.index_cast %add3A_577 : i32 to index
        %swap3A_586 = tpu.vector_load %arg9[%swap3A_585] masked %ge3A_579 {strides = array<i32>} : memref<528xi32, #tpu.memory_space<vmem>>, vector<16xi32>, vector<16xi1>
        tpu.vector_store %arg9[%swap3A_585], %add3A_584 masked %ge3A_579 {strides = array<i32>} : memref<528xi32, #tpu.memory_space<vmem>>, vector<16xi32>, vector<16xi1>
        %all_reduce_population_count3A_587 = tpu.all_reduce %ge3A_579 {dim = 0 : i64, kind = #tpu.reduction_kind<sum>} : vector<16xi1> -> vector<16xi32>
        %slice3A_588 = vector.extract_strided_slice %all_reduce_population_count3A_587 {offsets = [0], sizes = [1], strides = [1]} : vector<16xi32> to vector<1xi32>
        %squeeze3A_589 = vector.extract %slice3A_588[0] : i32 from vector<1xi32>
        %add3A_590 = arith.addi %add3A_577, %squeeze3A_589 : i32
        %ge3A_591 = vector.broadcast %reduce_min3A_238 : f32 to vector<16xf32>
        %ge3A_592 = arith.cmpf oge, %get3A_208, %ge3A_591 : vector<16xf32>
        %swap3A_593 = arith.index_cast %add3A_590 : i32 to index
        %swap3A_594 = tpu.vector_load %arg8[%swap3A_593] masked %ge3A_592 {strides = array<i32>} : memref<528xf32, #tpu.memory_space<vmem>>, vector<16xf32>, vector<16xi1>
        tpu.vector_store %arg8[%swap3A_593], %get3A_208 masked %ge3A_592 {strides = array<i32>} : memref<528xf32, #tpu.memory_space<vmem>>, vector<16xf32>, vector<16xi1>
        %add3A_595 = arith.constant 432 : i32
        %add3A_596 = vector.broadcast %add3A_595 : i32 to vector<16xi32>
        %add3A_597 = arith.addi %iota3A, %add3A_596 : vector<16xi32>
        %swap3A_598 = arith.index_cast %add3A_590 : i32 to index
        %swap3A_599 = tpu.vector_load %arg9[%swap3A_598] masked %ge3A_592 {strides = array<i32>} : memref<528xi32, #tpu.memory_space<vmem>>, vector<16xi32>, vector<16xi1>
        tpu.vector_store %arg9[%swap3A_598], %add3A_597 masked %ge3A_592 {strides = array<i32>} : memref<528xi32, #tpu.memory_space<vmem>>, vector<16xi32>, vector<16xi1>
        %all_reduce_population_count3A_600 = tpu.all_reduce %ge3A_592 {dim = 0 : i64, kind = #tpu.reduction_kind<sum>} : vector<16xi1> -> vector<16xi32>
        %slice3A_601 = vector.extract_strided_slice %all_reduce_population_count3A_600 {offsets = [0], sizes = [1], strides = [1]} : vector<16xi32> to vector<1xi32>
        %squeeze3A_602 = vector.extract %slice3A_601[0] : i32 from vector<1xi32>
        %add3A_603 = arith.addi %add3A_590, %squeeze3A_602 : i32
        %ge3A_604 = vector.broadcast %reduce_min3A_238 : f32 to vector<16xf32>
        %ge3A_605 = arith.cmpf oge, %get3A_214, %ge3A_604 : vector<16xf32>
        %swap3A_606 = arith.index_cast %add3A_603 : i32 to index
        %swap3A_607 = tpu.vector_load %arg8[%swap3A_606] masked %ge3A_605 {strides = array<i32>} : memref<528xf32, #tpu.memory_space<vmem>>, vector<16xf32>, vector<16xi1>
        tpu.vector_store %arg8[%swap3A_606], %get3A_214 masked %ge3A_605 {strides = array<i32>} : memref<528xf32, #tpu.memory_space<vmem>>, vector<16xf32>, vector<16xi1>
        %add3A_608 = arith.constant 448 : i32
        %add3A_609 = vector.broadcast %add3A_608 : i32 to vector<16xi32>
        %add3A_610 = arith.addi %iota3A, %add3A_609 : vector<16xi32>
        %swap3A_611 = arith.index_cast %add3A_603 : i32 to index
        %swap3A_612 = tpu.vector_load %arg9[%swap3A_611] masked %ge3A_605 {strides = array<i32>} : memref<528xi32, #tpu.memory_space<vmem>>, vector<16xi32>, vector<16xi1>
        tpu.vector_store %arg9[%swap3A_611], %add3A_610 masked %ge3A_605 {strides = array<i32>} : memref<528xi32, #tpu.memory_space<vmem>>, vector<16xi32>, vector<16xi1>
        %all_reduce_population_count3A_613 = tpu.all_reduce %ge3A_605 {dim = 0 : i64, kind = #tpu.reduction_kind<sum>} : vector<16xi1> -> vector<16xi32>
        %slice3A_614 = vector.extract_strided_slice %all_reduce_population_count3A_613 {offsets = [0], sizes = [1], strides = [1]} : vector<16xi32> to vector<1xi32>
        %squeeze3A_615 = vector.extract %slice3A_614[0] : i32 from vector<1xi32>
        %add3A_616 = arith.addi %add3A_603, %squeeze3A_615 : i32
        %ge3A_617 = vector.broadcast %reduce_min3A_238 : f32 to vector<16xf32>
        %ge3A_618 = arith.cmpf oge, %get3A_220, %ge3A_617 : vector<16xf32>
        %swap3A_619 = arith.index_cast %add3A_616 : i32 to index
        %swap3A_620 = tpu.vector_load %arg8[%swap3A_619] masked %ge3A_618 {strides = array<i32>} : memref<528xf32, #tpu.memory_space<vmem>>, vector<16xf32>, vector<16xi1>
        tpu.vector_store %arg8[%swap3A_619], %get3A_220 masked %ge3A_618 {strides = array<i32>} : memref<528xf32, #tpu.memory_space<vmem>>, vector<16xf32>, vector<16xi1>
        %add3A_621 = arith.constant 464 : i32
        %add3A_622 = vector.broadcast %add3A_621 : i32 to vector<16xi32>
        %add3A_623 = arith.addi %iota3A, %add3A_622 : vector<16xi32>
        %swap3A_624 = arith.index_cast %add3A_616 : i32 to index
        %swap3A_625 = tpu.vector_load %arg9[%swap3A_624] masked %ge3A_618 {strides = array<i32>} : memref<528xi32, #tpu.memory_space<vmem>>, vector<16xi32>, vector<16xi1>
        tpu.vector_store %arg9[%swap3A_624], %add3A_623 masked %ge3A_618 {strides = array<i32>} : memref<528xi32, #tpu.memory_space<vmem>>, vector<16xi32>, vector<16xi1>
        %all_reduce_population_count3A_626 = tpu.all_reduce %ge3A_618 {dim = 0 : i64, kind = #tpu.reduction_kind<sum>} : vector<16xi1> -> vector<16xi32>
        %slice3A_627 = vector.extract_strided_slice %all_reduce_population_count3A_626 {offsets = [0], sizes = [1], strides = [1]} : vector<16xi32> to vector<1xi32>
        %squeeze3A_628 = vector.extract %slice3A_627[0] : i32 from vector<1xi32>
        %add3A_629 = arith.addi %add3A_616, %squeeze3A_628 : i32
        %ge3A_630 = vector.broadcast %reduce_min3A_238 : f32 to vector<16xf32>
        %ge3A_631 = arith.cmpf oge, %get3A_226, %ge3A_630 : vector<16xf32>
        %swap3A_632 = arith.index_cast %add3A_629 : i32 to index
        %swap3A_633 = tpu.vector_load %arg8[%swap3A_632] masked %ge3A_631 {strides = array<i32>} : memref<528xf32, #tpu.memory_space<vmem>>, vector<16xf32>, vector<16xi1>
        tpu.vector_store %arg8[%swap3A_632], %get3A_226 masked %ge3A_631 {strides = array<i32>} : memref<528xf32, #tpu.memory_space<vmem>>, vector<16xf32>, vector<16xi1>
        %add3A_634 = arith.constant 480 : i32
        %add3A_635 = vector.broadcast %add3A_634 : i32 to vector<16xi32>
        %add3A_636 = arith.addi %iota3A, %add3A_635 : vector<16xi32>
        %swap3A_637 = arith.index_cast %add3A_629 : i32 to index
        %swap3A_638 = tpu.vector_load %arg9[%swap3A_637] masked %ge3A_631 {strides = array<i32>} : memref<528xi32, #tpu.memory_space<vmem>>, vector<16xi32>, vector<16xi1>
        tpu.vector_store %arg9[%swap3A_637], %add3A_636 masked %ge3A_631 {strides = array<i32>} : memref<528xi32, #tpu.memory_space<vmem>>, vector<16xi32>, vector<16xi1>
        %all_reduce_population_count3A_639 = tpu.all_reduce %ge3A_631 {dim = 0 : i64, kind = #tpu.reduction_kind<sum>} : vector<16xi1> -> vector<16xi32>
        %slice3A_640 = vector.extract_strided_slice %all_reduce_population_count3A_639 {offsets = [0], sizes = [1], strides = [1]} : vector<16xi32> to vector<1xi32>
        %squeeze3A_641 = vector.extract %slice3A_640[0] : i32 from vector<1xi32>
        %add3A_642 = arith.addi %add3A_629, %squeeze3A_641 : i32
        %ge3A_643 = vector.broadcast %reduce_min3A_238 : f32 to vector<16xf32>
        %ge3A_644 = arith.cmpf oge, %get3A_232, %ge3A_643 : vector<16xf32>
        %swap3A_645 = arith.index_cast %add3A_642 : i32 to index
        %swap3A_646 = tpu.vector_load %arg8[%swap3A_645] masked %ge3A_644 {strides = array<i32>} : memref<528xf32, #tpu.memory_space<vmem>>, vector<16xf32>, vector<16xi1>
        tpu.vector_store %arg8[%swap3A_645], %get3A_232 masked %ge3A_644 {strides = array<i32>} : memref<528xf32, #tpu.memory_space<vmem>>, vector<16xf32>, vector<16xi1>
        %add3A_647 = arith.constant 496 : i32
        %add3A_648 = vector.broadcast %add3A_647 : i32 to vector<16xi32>
        %add3A_649 = arith.addi %iota3A, %add3A_648 : vector<16xi32>
        %swap3A_650 = arith.index_cast %add3A_642 : i32 to index
        %swap3A_651 = tpu.vector_load %arg9[%swap3A_650] masked %ge3A_644 {strides = array<i32>} : memref<528xi32, #tpu.memory_space<vmem>>, vector<16xi32>, vector<16xi1>
        tpu.vector_store %arg9[%swap3A_650], %add3A_649 masked %ge3A_644 {strides = array<i32>} : memref<528xi32, #tpu.memory_space<vmem>>, vector<16xi32>, vector<16xi1>
        %all_reduce_population_count3A_652 = tpu.all_reduce %ge3A_644 {dim = 0 : i64, kind = #tpu.reduction_kind<sum>} : vector<16xi1> -> vector<16xi32>
        %slice3A_653 = vector.extract_strided_slice %all_reduce_population_count3A_652 {offsets = [0], sizes = [1], strides = [1]} : vector<16xi32> to vector<1xi32>
        %squeeze3A_654 = vector.extract %slice3A_653[0] : i32 from vector<1xi32>
        %add3A_655 = arith.addi %add3A_642, %squeeze3A_654 : i32
        %broadcast_in_dim3A_656 = arith.constant -3.000000e+38 : f32
        %broadcast_in_dim3A_657 = vector.broadcast %broadcast_in_dim3A_656 : f32 to vector<16xf32>
        %broadcast_in_dim3A_658 = arith.constant 0 : i32
        %broadcast_in_dim3A_659 = vector.broadcast %broadcast_in_dim3A_658 : i32 to vector<16xi32>
        %add3A_660 = arith.constant 16 : i32
        %add3A_661 = arith.addi %add3A_655, %add3A_660 : i32
        %sub3A_662 = arith.constant 1 : i32
        %sub3A_663 = arith.subi %add3A_661, %sub3A_662 : i32
        %jit3A_664 = arith.constant 16 : i32
        %div3A_665 = arith.divsi %sub3A_663, %jit3A_664 : i32
        %sign3A_666 = arith.constant 0 : i32
        %sign3A_667 = arith.cmpi sgt, %sub3A_663, %sign3A_666 : i32
        %sign3A_668 = arith.extui %sign3A_667 : i1 to i32
        %sign3A_669 = arith.constant 0 : i32
        %sign3A_670 = arith.cmpi slt, %sub3A_663, %sign3A_669 : i32
        %sign3A_671 = arith.extui %sign3A_670 : i1 to i32
        %sign3A_672 = arith.subi %sign3A_668, %sign3A_671 : i32
        %sign3A_673 = arith.constant 0 : i32
        %sign3A_674 = arith.cmpi sgt, %jit3A_664, %sign3A_673 : i32
        %sign3A_675 = arith.extui %sign3A_674 : i1 to i32
        %sign3A_676 = arith.constant 0 : i32
        %sign3A_677 = arith.cmpi slt, %jit3A_664, %sign3A_676 : i32
        %sign3A_678 = arith.extui %sign3A_677 : i1 to i32
        %sign3A_679 = arith.subi %sign3A_675, %sign3A_678 : i32
        %ne3A_680 = arith.cmpi ne, %sign3A_672, %sign3A_679 : i32
        %rem3A_681 = arith.remsi %sub3A_663, %jit3A_664 : i32
        %ne3A_682 = arith.constant 0 : i32
        %ne3A_683 = arith.cmpi ne, %rem3A_681, %ne3A_682 : i32
        %and3A_684 = arith.andi %ne3A_680, %ne3A_683 : i1
        %sub3A_685 = arith.constant 1 : i32
        %sub3A_686 = arith.subi %div3A_665, %sub3A_685 : i32
        %select_n3A_687 = arith.select %and3A_684, %sub3A_686, %div3A_665 : i32
        %while3A_688 = arith.constant 0 : i32
        %while3A_689 = arith.subi %select_n3A_687, %while3A_688 : i32
        %while3A_690 = arith.addi %while3A_688, %while3A_689 : i32
        %while3A_691 = arith.constant 1 : i32
        %while3A_692 = arith.divsi %while3A_689, %while3A_691 : i32
        %while3A_693 = arith.muli %while3A_692, %while3A_691 : i32
        %while3A_694 = arith.addi %while3A_688, %while3A_693 : i32
        %while3A_695 = arith.constant 1 : i32
        %while3A_696:2 = scf.for %while3A_717 = %while3A_688 to %while3A_694 step %while3A_695 iter_args(%while3A_718 = %broadcast_in_dim3A_657, %while3A_719 = %broadcast_in_dim3A_659) -> (vector<16xf32>, vector<16xi32>)  : i32 {
          %mul3A_720 = arith.constant 16 : i32
          %mul3A_721 = arith.muli %while3A_717, %mul3A_720 : i32
          %get3A_722 = arith.index_cast %mul3A_721 : i32 to index
          %get3A_723 = tpu.vector_load %arg8[%get3A_722] {strides = array<i32>} : memref<528xf32, #tpu.memory_space<vmem>>, vector<16xf32>,
          %mul3A_724 = arith.constant 16 : i32
          %mul3A_725 = arith.muli %while3A_717, %mul3A_724 : i32
          %get3A_726 = arith.index_cast %mul3A_725 : i32 to index
          %get3A_727 = tpu.vector_load %arg9[%get3A_726] {strides = array<i32>} : memref<528xi32, #tpu.memory_space<vmem>>, vector<16xi32>,
          %mul3A_728 = arith.constant 16 : i32
          %mul3A_729 = arith.muli %while3A_717, %mul3A_728 : i32
          %add3A_730 = vector.broadcast %mul3A_729 : i32 to vector<16xi32>
          %add3A_731 = arith.addi %add3A_730, %iota3A : vector<16xi32>
          %lt3A = vector.broadcast %add3A_655 : i32 to vector<16xi32>
          %lt3A_732 = arith.cmpi slt, %add3A_731, %lt3A : vector<16xi32>
          %jit3A_733 = arith.constant -3.000000e+38 : f32
          %broadcast_in_dim3A_734 = vector.broadcast %jit3A_733 : f32 to vector<16xf32>
          %select_n3A_735 = arith.select %lt3A_732, %get3A_723, %broadcast_in_dim3A_734 : vector<16xi1>, vector<16xf32>
          %masked_sort3A = arith.constant dense<true> : vector<16xi1>
          %masked_sort3A_736, %masked_sort3A_737, %masked_sort3A_738 = tpu.sort %select_n3A_735, %get3A_727 masked %masked_sort3A {descending = true} : (vector<16xf32>, vector<16xi32>, vector<16xi1>) -> (vector<16xi1>, vector<16xf32>, vector<16xi32>)
          %ge3A_739 = arith.cmpf oge, %masked_sort3A_737, %while3A_718 : vector<16xf32>
          %select_n3A_740 = arith.select %ge3A_739, %masked_sort3A_737, %while3A_718 : vector<16xi1>, vector<16xf32>
          %select_n3A_741 = arith.select %ge3A_739, %masked_sort3A_738, %while3A_719 : vector<16xi1>, vector<16xi32>
          %masked_sort3A_742 = arith.constant dense<true> : vector<16xi1>
          %masked_sort3A_743, %masked_sort3A_744, %masked_sort3A_745 = tpu.sort %select_n3A_740, %select_n3A_741 masked %masked_sort3A_742 : (vector<16xf32>, vector<16xi32>, vector<16xi1>) -> (vector<16xi1>, vector<16xf32>, vector<16xi32>)
          scf.yield %masked_sort3A_744, %masked_sort3A_745 : vector<16xf32>, vector<16xi32>
        }
        %while3A_697 = arith.constant 1 : i32
        %while3A_698:2 = scf.for %while3A_717 = %while3A_694 to %while3A_690 step %while3A_697 iter_args(%while3A_718 = %while3A_696#0, %while3A_719 = %while3A_696#1) -> (vector<16xf32>, vector<16xi32>)  : i32 {
          %mul3A_720 = arith.constant 16 : i32
          %mul3A_721 = arith.muli %while3A_717, %mul3A_720 : i32
          %get3A_722 = arith.index_cast %mul3A_721 : i32 to index
          %get3A_723 = tpu.vector_load %arg8[%get3A_722] {strides = array<i32>} : memref<528xf32, #tpu.memory_space<vmem>>, vector<16xf32>,
          %mul3A_724 = arith.constant 16 : i32
          %mul3A_725 = arith.muli %while3A_717, %mul3A_724 : i32
          %get3A_726 = arith.index_cast %mul3A_725 : i32 to index
          %get3A_727 = tpu.vector_load %arg9[%get3A_726] {strides = array<i32>} : memref<528xi32, #tpu.memory_space<vmem>>, vector<16xi32>,
          %mul3A_728 = arith.constant 16 : i32
          %mul3A_729 = arith.muli %while3A_717, %mul3A_728 : i32
          %add3A_730 = vector.broadcast %mul3A_729 : i32 to vector<16xi32>
          %add3A_731 = arith.addi %add3A_730, %iota3A : vector<16xi32>
          %lt3A = vector.broadcast %add3A_655 : i32 to vector<16xi32>
          %lt3A_732 = arith.cmpi slt, %add3A_731, %lt3A : vector<16xi32>
          %jit3A_733 = arith.constant -3.000000e+38 : f32
          %broadcast_in_dim3A_734 = vector.broadcast %jit3A_733 : f32 to vector<16xf32>
          %select_n3A_735 = arith.select %lt3A_732, %get3A_723, %broadcast_in_dim3A_734 : vector<16xi1>, vector<16xf32>
          %masked_sort3A = arith.constant dense<true> : vector<16xi1>
          %masked_sort3A_736, %masked_sort3A_737, %masked_sort3A_738 = tpu.sort %select_n3A_735, %get3A_727 masked %masked_sort3A {descending = true} : (vector<16xf32>, vector<16xi32>, vector<16xi1>) -> (vector<16xi1>, vector<16xf32>, vector<16xi32>)
          %ge3A_739 = arith.cmpf oge, %masked_sort3A_737, %while3A_718 : vector<16xf32>
          %select_n3A_740 = arith.select %ge3A_739, %masked_sort3A_737, %while3A_718 : vector<16xi1>, vector<16xf32>
          %select_n3A_741 = arith.select %ge3A_739, %masked_sort3A_738, %while3A_719 : vector<16xi1>, vector<16xi32>
          %masked_sort3A_742 = arith.constant dense<true> : vector<16xi1>
          %masked_sort3A_743, %masked_sort3A_744, %masked_sort3A_745 = tpu.sort %select_n3A_740, %select_n3A_741 masked %masked_sort3A_742 : (vector<16xf32>, vector<16xi32>, vector<16xi1>) -> (vector<16xi1>, vector<16xf32>, vector<16xi32>)
          scf.yield %masked_sort3A_744, %masked_sort3A_745 : vector<16xf32>, vector<16xi32>
        }
        %exp3A_699 = math.exp %while3A_698#0 : vector<16xf32>
        %div3A_700 = vector.broadcast %reduce_sum3A_241 : f32 to vector<16xf32>
        %div3A_701 = arith.divf %exp3A_699, %div3A_700 : vector<16xf32>
        %rev3A = arith.constant 15 : i32
        %rev3A_702 = vector.broadcast %rev3A : i32 to vector<16xi32>
        %rev3A_703 = tpu.iota {dimensions = array<i32: 0>} : vector<16xi32>
        %rev3A_704 = arith.subi %rev3A_702, %rev3A_703 : vector<16xi32>
        %rev3A_705 = tpu.dynamic_gather %div3A_701[%rev3A_704] in [0] : vector<16xf32>, vector<16xi32> -> vector<16xf32>
        %swap3A_706 = arith.index_cast %scan3A_43 : i32 to index
        %swap3A_707 = arith.constant 0 : index
        %swap3A_708 = tpu.vector_load %arg6[%swap3A_706, %swap3A_707] {strides = array<i32>} : memref<40x16xf32, #tpu.memory_space<vmem>>, vector<16xf32>,
        tpu.vector_store %arg6[%swap3A_706, %swap3A_707], %rev3A_705 {strides = array<i32>} : memref<40x16xf32, #tpu.memory_space<vmem>>, vector<16xf32>,
        %rev3A_709 = arith.constant 15 : i32
        %rev3A_710 = vector.broadcast %rev3A_709 : i32 to vector<16xi32>
        %rev3A_711 = tpu.iota {dimensions = array<i32: 0>} : vector<16xi32>
        %rev3A_712 = arith.subi %rev3A_710, %rev3A_711 : vector<16xi32>
        %rev3A_713 = tpu.dynamic_gather %while3A_698#1[%rev3A_712] in [0] : vector<16xi32>, vector<16xi32> -> vector<16xi32>
        %swap3A_714 = arith.index_cast %scan3A_43 : i32 to index
        %swap3A_715 = arith.constant 0 : index
        %swap3A_716 = tpu.vector_load %arg7[%swap3A_714, %swap3A_715] {strides = array<i32>} : memref<40x16xi32, #tpu.memory_space<vmem>>, vector<16xi32>,
        tpu.vector_store %arg7[%swap3A_714, %swap3A_715], %rev3A_713 {strides = array<i32>} : memref<40x16xi32, #tpu.memory_space<vmem>>, vector<16xi32>,
      }
      %scan3A_42 = arith.constant 40 : i32
      "tpu.region"() ({
        %run_scoped3A = tpu.sem_alloc : memref<!tpu.dma_semaphore, #tpu.memory_space<semaphore_mem>>
        %dma_start3A = arith.constant 0 : i32
        %dma_start3A_43 = tpu.memref_slice %arg3[%mul3A_37, %dma_start3A] : memref<20000x16xf32, #tpu.memory_space<hbm>> -> memref<40x16xf32, #tpu.memory_space<hbm>>
        %dma_start3A_44 = arith.constant 0 : i32
        %dma_start3A_45 = tpu.memref_slice %arg3[%mul3A_37, %dma_start3A_44] : memref<20000x16xf32, #tpu.memory_space<hbm>> -> memref<40x16xf32, #tpu.memory_space<hbm>>
        tpu.enqueue_dma source(%arg6 : memref<40x16xf32, #tpu.memory_space<vmem>>) target(%dma_start3A_45 : memref<40x16xf32, #tpu.memory_space<hbm>>) target_semaphore(%run_scoped3A : memref<!tpu.dma_semaphore, #tpu.memory_space<semaphore_mem>>)
        %dma_wait3A = arith.constant 0 : i32
        %dma_wait3A_46 = tpu.memref_slice %arg3[%mul3A_37, %dma_wait3A] : memref<20000x16xf32, #tpu.memory_space<hbm>> -> memref<40x16xf32, #tpu.memory_space<hbm>>
        %dma_wait3A_47 = arith.constant 0 : i32
        %dma_wait3A_48 = tpu.memref_slice %arg3[%mul3A_37, %dma_wait3A_47] : memref<20000x16xf32, #tpu.memory_space<hbm>> -> memref<40x16xf32, #tpu.memory_space<hbm>>
        tpu.wait_dma2 semaphore(%run_scoped3A : memref<!tpu.dma_semaphore, #tpu.memory_space<semaphore_mem>>) src(%arg6 : memref<40x16xf32, #tpu.memory_space<vmem>>) dst(%dma_wait3A_48 : memref<40x16xf32, #tpu.memory_space<hbm>>)
        tpu.yield
      }) : () -> ()
      "tpu.region"() ({
        %run_scoped3A = tpu.sem_alloc : memref<!tpu.dma_semaphore, #tpu.memory_space<semaphore_mem>>
        %dma_start3A = arith.constant 0 : i32
        %dma_start3A_43 = tpu.memref_slice %arg4[%mul3A_37, %dma_start3A] : memref<20000x16xi32, #tpu.memory_space<hbm>> -> memref<40x16xi32, #tpu.memory_space<hbm>>
        %dma_start3A_44 = arith.constant 0 : i32
        %dma_start3A_45 = tpu.memref_slice %arg4[%mul3A_37, %dma_start3A_44] : memref<20000x16xi32, #tpu.memory_space<hbm>> -> memref<40x16xi32, #tpu.memory_space<hbm>>
        tpu.enqueue_dma source(%arg7 : memref<40x16xi32, #tpu.memory_space<vmem>>) target(%dma_start3A_45 : memref<40x16xi32, #tpu.memory_space<hbm>>) target_semaphore(%run_scoped3A : memref<!tpu.dma_semaphore, #tpu.memory_space<semaphore_mem>>)
        %dma_wait3A = arith.constant 0 : i32
        %dma_wait3A_46 = tpu.memref_slice %arg4[%mul3A_37, %dma_wait3A] : memref<20000x16xi32, #tpu.memory_space<hbm>> -> memref<40x16xi32, #tpu.memory_space<hbm>>
        %dma_wait3A_47 = arith.constant 0 : i32
        %dma_wait3A_48 = tpu.memref_slice %arg4[%mul3A_37, %dma_wait3A_47] : memref<20000x16xi32, #tpu.memory_space<hbm>> -> memref<40x16xi32, #tpu.memory_space<hbm>>
        tpu.wait_dma2 semaphore(%run_scoped3A : memref<!tpu.dma_semaphore, #tpu.memory_space<semaphore_mem>>) src(%arg7 : memref<40x16xi32, #tpu.memory_space<vmem>>) dst(%dma_wait3A_48 : memref<40x16xi32, #tpu.memory_space<hbm>>)
        tpu.yield
      }) : () -> ()
    }
    return
  }
}

</mosaic_0001>

<sc_bundles>
// kernel: kernel.3.cloned.1.call-start
scs
__scs_entry_jumppad:
0x0: {  	(pc) =	sbr.rel $0x88, $3  }
0x1: {  	(tag) =	ssettag $0x0;
	lr =	simm.s32 $0x1  }
0x2: {  	[smem:$0x3F9E] =	sst lr;
	_ =	strace $0xD0000000  }
0x3: {  	_ = 	snop  }
0x4: {  	_ = 	snop  }
0x5: {  	_ = 	snop  }
0x6: {  	_ = 	snop  }
0x7: {  	_ = 	snop  }
__scs_overlays_trampoline_lowered:
0x8: {  	[smem:$0x3FAD] =	sst s0  }
0x9: {  	[smem:$0x3FAE] =	sst s1  }
0xa: {  	[smem:$0x3FAF] =	sst s2  }
0xb: {  	[smem:$0x3FB0] =	sst s3  }
0xc: {  	[smem:$0x3FB1] =	sst s4  }
0xd: {  	[smem:$0x3FB2] =	sst s5  }
0xe: {  	[smem:$0x3FB3] =	sst s6  }
0xf: {  	[smem:$0x3FB4] =	sst s7  }
0x10: {  	[smem:$0x3FB5] =	sst s8  }
0x11: {  	[smem:$0x3FB6] =	sst s9;
	s0 =	simm.s32 @!p0 $0x0  }
0x12: {  	s1 =	sld [smem:$0x3F9C];
	s0 =	simm.s32 @p0 $0x1  }
0x13: {  	[smem:$0x3FB7] =	sst s0;
	s0 =	simm.s32 @!p1 $0x0  }
0x14: {  	s2 =	sld [smem:$0x3F9B];
	s0 =	simm.s32 @p1 $0x1  }
0x15: {  	[smem:$0x3FB8] =	sst s0;
	s0 =	simm.s32 @!p2 $0x0  }
0x16: {  	s3 =	sld [smem:$0x3FDB];
	s0 =	simm.s32 @p2 $0x1  }
0x17: {  	s4 =	simm.s32 $0x1BF5;
	[smem:$0x3FBA] =	sst s0  }
0x18: {  	s0 =	sld [smem:$0x3F9D];
	_ =	swait.ge [sflag:s4], $0x0  }
0x19: {  	s7 =	sld [smem:$0x3F9E]  }
0x1a: {  	s8 =	sadd.s32 $0xFFFFE003, lr  }
0x1b: {  	s9 =	sadd.s32 $0xFFFFFEF7, lr;
	s5 =	simm.s32 $0xFFFFFFFF;
	p2 =	slt.u32 s8, $0xFFFFF086  }
0x1c: {  	p1 =	slt.u32 s9, $0xF7A;
	s5 =	simm.s32 @!p2 $0x0  }
0x1d: {  	s5 =	simm.s32 @p1 $0x1;
	p0 =	seq.s32 s7, s2  }
0x1e: {  	s7 =	smul.u32 @!p0 $0xF7A, s2;
	p2 =	seq.s32 @!p0 s5, $0x0  }
0x1f: {  	s9 =	smul.u32 $0xF7A, s1;
	s8 =	simm.s32 @!p0 $0x1BF5;
	p2 =	por !p2, p0  }
0x20: {  	[sflag:s8] =	ssyncset.s32 @!p0 $0xFFFFF086;
	s6 =	sadd.s32 @!p0 s3, s7;
	s7 =	simm.s32 @!p0 $0x108  }
0x21: {  	s3 =	sadd.s32 s3, s9;
	s6 =	sadd.s32 @!p0 $0x88, s6;
	s7 =	simm.s32 @p2 $0x1082  }
0x22: {  	[simem:s7], [sflag:s8] =	dma.local @!p0 [hbm:s6], $0xF7A  }
0x23: {  	s9 =	sor.u32 $0xD0000000, s2;
	s6 =	simm.s32 $0x108;
	_ =	swait.ge @!p0 [sflag:s8], $0x0  }
0x24: {  	s3 =	sadd.s32 $0x88, s3;
	s6 =	simm.s32 @!p1 $0x1082;
	[sflag:s4] =	ssyncset.s32 $0xFFFFF086  }
0x25: {  	[simem:s6], [sflag:s4] =	dma.local [hbm:s3], $0xF7A  }
0x26: {  	[smem:$0x3F9E] =	sst s1;
	(tag) =	ssettag s2;
	_ =	strace s9  }
0x27: {  	s1 =	sld [smem:$0x3FAE]  }
0x28: {  	s2 =	sld [smem:$0x3FAF]  }
0x29: {  	s4 =	sld [smem:$0x3FB1]  }
0x2a: {  	p0 =	seq.s32 s5, $0x0;
	s5 =	sld [smem:$0x3FB2]  }
0x2b: {  	s6 =	sld [smem:$0x3FB3]  }
0x2c: {  	s7 =	sld [smem:$0x3FB4]  }
0x2d: {  	s3 =	simm.s32 $0x108;
	s8 =	sld [smem:$0x3FB5]  }
0x2e: {  	s3 =	simm.s32 @!p0 $0x1082;
	s9 =	sld [smem:$0x3FB6]  }
0x2f: {  	lr =	sadd.s32 s0, s3;
	s0 =	sld [smem:$0x3FAD]  }
0x30: {  	s3 =	sld [smem:$0x3FB0]  }
0x31: {  	[smem:$0x3FB9] =	sst s10  }
0x32: {  	s10 =	sld [smem:$0x3FB7];
	_ =	sdelay $0x3  }
0x33: {  	p0 =	seq.s32 s10, $0x1;
	s10 =	sld [smem:$0x3FB9];
	_ =	sdelay $0x3  }
0x34: {  	[smem:$0x3FB9] =	sst s10  }
0x35: {  	s10 =	sld [smem:$0x3FB8];
	_ =	sdelay $0x3  }
0x36: {  	p1 =	seq.s32 s10, $0x1;
	s10 =	sld [smem:$0x3FB9];
	_ =	sdelay $0x3  }
0x37: {  	[smem:$0x3FB9] =	sst s10  }
0x38: {  	s10 =	sld [smem:$0x3FBA]  }
0x39: {  	_ = 	snop;
	(pc) =	sbr.ind lr, $3  }
0x3a: {  	_ = 	snop  }
0x3b: {  	_ = 	snop  }
0x3c: {  	p2 =	seq.s32 s10, $0x1;
	s10 =	sld [smem:$0x3FB9]  }
0x3d: {  	_ =	shalt  }
0x3e: {  	_ =	shalt  }
0x3f: {  	_ =	shalt  }
0x40: {  	_ =	shalt  }
0x41: {  	_ =	shalt  }
0x42: {  	_ =	shalt  }
0x43: {  	_ =	shalt  }
0x44: {  	_ =	shalt  }
0x45: {  	_ =	shalt  }
0x46: {  	_ =	shalt  }
0x47: {  	_ =	shalt  }
0x48: {  	_ =	shalt  }
0x49: {  	_ =	shalt  }
0x4a: {  	_ =	shalt  }
0x4b: {  	_ =	shalt  }
0x4c: {  	_ =	shalt  }
0x4d: {  	_ =	shalt  }
0x4e: {  	_ =	shalt  }
0x4f: {  	_ =	shalt  }
0x50: {  	_ =	shalt  }
0x51: {  	_ =	shalt  }
0x52: {  	_ =	shalt  }
0x53: {  	_ =	shalt  }
0x54: {  	_ =	shalt  }
0x55: {  	_ =	shalt  }
0x56: {  	_ =	shalt  }
0x57: {  	_ =	shalt  }
0x58: {  	_ =	shalt  }
0x59: {  	_ =	shalt  }
0x5a: {  	_ =	shalt  }
0x5b: {  	_ =	shalt  }
0x5c: {  	_ =	shalt  }
0x5d: {  	_ =	shalt  }
0x5e: {  	_ =	shalt  }
0x5f: {  	_ =	shalt  }
0x60: {  	_ =	shalt  }
0x61: {  	_ =	shalt  }
0x62: {  	_ =	shalt  }
0x63: {  	_ =	shalt  }
0x64: {  	_ =	shalt  }
0x65: {  	_ =	shalt  }
0x66: {  	_ =	shalt  }
0x67: {  	_ =	shalt  }
0x68: {  	_ =	shalt  }
0x69: {  	_ =	shalt  }
0x6a: {  	_ =	shalt  }
0x6b: {  	_ =	shalt  }
0x6c: {  	_ =	shalt  }
0x6d: {  	_ =	shalt  }
0x6e: {  	_ =	shalt  }
0x6f: {  	_ =	shalt  }
0x70: {  	_ =	shalt  }
0x71: {  	_ =	shalt  }
0x72: {  	_ =	shalt  }
0x73: {  	_ =	shalt  }
0x74: {  	_ =	shalt  }
0x75: {  	_ =	shalt  }
0x76: {  	_ =	shalt  }
0x77: {  	_ =	shalt  }
0x78: {  	_ =	shalt  }
0x79: {  	_ =	shalt  }
0x7a: {  	_ =	shalt  }
0x7b: {  	_ =	shalt  }
0x7c: {  	_ =	shalt  }
0x7d: {  	_ =	shalt  }
0x7e: {  	_ =	shalt  }
0x7f: {  	_ =	shalt  }
0x80: {  	_ =	shalt  }
0x81: {  	_ =	shalt  }
0x82: {  	_ =	shalt  }
0x83: {  	_ =	shalt  }
0x84: {  	_ =	shalt  }
0x85: {  	_ =	shalt  }
0x86: {  	_ =	shalt  }
0x87: {  	_ =	shalt  }
.Lfunc_end0:
.L_simem_size_0:
called_computation_lowered:
.L_overlay_start_0:
0x88: {  	s2 =	sld [smem:$0x3FD9]  }
0x89: {  	s3 =	sld [smem:$0x3FFE];
	_ =	sdelay $0x1  }
0x8a: {  	s1 =	srdreg.scid  }
0x8b: {  	s0 =	sand.u32 $0x1, s1  }
0x8c: {  	s14 =	sshll.u32 s0, $0xA;
	s2 =	sadd.s32 s3, s2  }
0x8d: {  	s2 =	sadd.s32 s2, s14  }
0x8e: {  	[smem:$0x3FC5] =	sst s2  }
0x8f: {  	_ = 	snop  }
0x90: {  	s2 =	sld [smem:$0x3FD0];
	_ =	sdelay $0x2  }
0x91: {  	s4 =	simm.s32 $0xA;
	s5 =	simm.s32 $0x10;
	s15 =	sld [smem:$0x3FC9]  }
0x92: {  	[smem:s5], [sflag:s4] =	dma.local [hbm:s2], $0x1  }
0x93: {  	_ =	swait.eq [sflag:s4], $0x1  }
0x94: {  	[sflag:s4] =	ssyncset.done $0x0  }
0x95: {  	[sflag:s4] =	ssyncadd.s32 $0xFFFFFFFF  }
0x96: {  	s16 =	sld [smem:$0x13];
	(tm) =	ssettm $0x1  }
0x97: {  	s17 =	sld [smem:$0x3FFB];
	_ =	sdelay $0x3  }
0x98: {  	_ =	strace s17  }
0x99: {  	s4 =	sld [smem:$0x3FFC];
	_ =	sdelay $0x3  }
0x9a: {  	_ =	strace s4  }
0x9b: {  	s4 =	sld [smem:$0x3FFD];
	_ =	sdelay $0x3  }
0x9c: {  	_ =	strace s4  }
0x9d: {  	_ =	strace $0x8FFFFFFF  }
0x9e: {  	s18 =	sld [smem:$0x3FDB];
	_ =	sdelay $0x1  }
0x9f: {  	s19 =	simm.s32 $_scs_section_size  }
0xa0: {  	s6 =	simm.s32 $_size__tile_overlayer_lowered;
	s7 =	simm.s32 $_tile_overlayer_lowered  }
0xa1: {  	s22 =	simm.s32 $0x1BFF;
	s21 =	sshll.u32 s7, $0x1;
	s4 =	sadd.s32 s19, s18  }
0xa2: {  	s8 =	simm.s32 $0x0;
	s20 =	sshll.u32 s6, $0x1;
	s6 =	sadd.s32 s21, s4  }
0xa3: {  	[timem:s8], [sflag:s22] =	dma.local [hbm:s6], s20  }
0xa4: {  	_ =	swait.ge [sflag:s22], s20  }
0xa5: {  	s5 =	ssub.s32 $0x0, s20;
	[sflag:s22] =	ssyncset.done $0x0  }
0xa6: {  	[sflag:s22] =	ssyncadd.s32 s5;
	_ =	sdelay $0x1  }
0xa7: {  	s23 =	simm.s32 $0x1B8B  }
0xa8: {  	_ =	swait.ge [sflag:s23], $0x1  }
0xa9: {  	[sflag:s23] =	ssyncset.done $0x0  }
0xaa: {  	s25 =	simm.s32 $0x1B8E;
	s24 =	sld [smem:$0x3FFE];
	[sflag:s23] =	ssyncadd.s32 $0xFFFFFFFF  }
0xab: {  	s26 =	simm.s32 $execute0_lowered;
	[smem:$0x3FD2] =	sst s25  }
0xac: {  	s6 =	sshll.u32 s26, $0x1;
	_ =	strace $0x80000046;
	[dreg:$0x1] =	wrdreg $0xFFFFFFFF  }
0xad: {  	s28 =	simm.s32 $_size_execute0_lowered;
	s4 =	sadd.s32 s4, s6;
	[dreg:$0x0] =	wrdreg $0x0  }
0xae: {  	s6 =	sshll.u32 s28, $0x1;
	[dreg:$0x2] =	wrdreg s4  }
0xaf: {  	[dreg:$0x3] =	wrdreg s6  }
0xb0: {  	[dreg:$0x4] =	wrdreg $0xC0  }
0xb1: {  	_ =	task [dreg:s8], $0x5FFFF  }
0xb2: {  	[dreg:$0x1] =	wrdreg $0xFFFFFFFF  }
0xb3: {  	[dreg:$0x0] =	wrdreg $0x60  }
0xb4: {  	[dreg:$0x2] =	wrdreg s15  }
0xb5: {  	[dreg:$0x3] =	wrdreg s16  }
0xb6: {  	[dreg:$0x4] =	wrdreg s24  }
0xb7: {  	[dreg:$0x5] =	wrdreg $0x9  }
0xb8: {  	_ =	task.clear_ibuf [dreg:s8], $0x6FFFF;
	_ =	strace $0x90000046  }
0xb9: {  	s29 =	simm.s32 $0x9;
	_ =	strace $0x80000048  }
0xba: {  	_ =	swait.ge [sflag:s29], $0x1  }
0xbb: {  	[sflag:s29] =	ssyncadd.s32 $0xFFFFFFFF  }
0xbc: {  	_ =	strace $0x90000048  }
0xbd: {  	_ =	sfence  }
0xbe: {  	s30 =	sld [smem:$0x0];
	_ =	sdelay $0x2  }
0xbf: {  	s31 =	sshll.u32 s1, $0xD;
	s1 =	sshrl.u32 s1, $0x2  }
0xc0: {  	s3 =	sand.u32 $0x4000, s31;
	s1 =	sadd.s32 s1, s30  }
0xc1: {  	s0 =	sor.u32 s3, s0;
	s1 =	sshll.u32 s1, $0x11  }
0xc2: {  	s0 =	sor.u32 s1, s0  }
0xc3: {  	s0 =	sadd.s32 $0x8F2B, s0  }
0xc4: {  	[sflag:s0] =	ssyncadd.remote.s32 $0x1  }
0xc5: {  	_ =	sfence.sel $0xFFFF  }
0xc6: {  	[dreg:$0x0] =	wrdreg $0xFFFFFFFF;
	(pc) =	sbr.abs _section_cstart, $3  }
0xc7: {  	[dreg:$0x1] =	wrdreg $0xFFFFFFFF  }
0xc8: {  	_ =	task.clear_ibuf [dreg:s8], $0x2FFFF;
	_ =	strace $0x9FFFFFFF  }
0xc9: {  	(tm) =	ssettm $0x7FFFFFFF  }
tec
execute0_lowered:
.L_overlay_start_1:
0x0: {  	(tag) =	ssettag $0x1  }
0x1: {  	v0 =	vlaneseq.u32  }
0x2: {  	s0 =	rddreg [dreg:$0x0];
	v1 =	vor.u32 $0x10, v0;
	v7 =	vor.u32 $0x70, v0;
	v8 =	vor.u32 $0x80, v0  }
0x3: {  	s1 =	rddreg [dreg:$0x1];
	v9 =	vor.u32 $0x90, v0;
	v10 =	vor.u32 $0xA0, v0;
	v11 =	vor.u32 $0xB0, v0  }
0x4: {  	s6 =	rddreg [dreg:$0x2];
	v12 =	vor.u32 $0xC0, v0;
	v13 =	vor.u32 $0xD0, v0;
	v14 =	vor.u32 $0xE0, v0  }
0x5: {  	s3 =	srdreg.scid;
	s2 =	rddreg [dreg:$0x3];
	v15 =	vor.u32 $0xF0, v0;
	v16 =	vor.u32 $0x100, v0;
	[tilespmem:$0x1FFA0] =	vst v1;
	v1 =	vor.u32 $0x20, v0  }
0x6: {  	s4 =	simm.s32 $0x0;
	s10 =	simm.s32 $0x7800;
	s11 =	simm.s32 $0x7A80;
	v17 =	vor.u32 $0x110, v0;
	v18 =	vor.u32 $0x120, v0;
	[tilespmem:$0x1FFB0] =	vst v1;
	v1 =	vor.u32 $0x30, v0  }
0x7: {  	s12 =	simm.s32 $0x5000;
	s13 =	simm.s32 $0x6400;
	s14 =	simm.s32 $0x0;
	v19 =	vor.u32 $0x130, v0;
	v20 =	vor.u32 $0x140, v0;
	[tilespmem:$0x1FFC0] =	vst v1;
	v1 =	vor.u32 $0x40, v0  }
.Ltmp0:
0x8: {  	s5 =	sand.u32 $0x1, s3;
	s3 =	stileid.u32;
	v21 =	vor.u32 $0x150, v0;
	v22 =	vor.u32 $0x160, v0;
	[tilespmem:$0x1FFD0] =	vst v1;
	v1 =	vor.u32 $0x50, v0;
	(pc) =	sbr.rel .LBB2_1-.Ltmp0, $4  }
0x9: {  	[smem:$0x7FF] =	sst s4;
	v23 =	vor.u32 $0x170, v0;
	v24 =	vor.u32 $0x180, v0;
	s7 =	ssub.s32 $0x2, s5;
	s8 =	sshll.u32 s3, $0x1;
	[tilespmem:$0x1FFE0] =	vst v1;
	v1 =	vor.u32 $0x60, v0  }
0xa: {  	s6 =	sadd.s32 $0xC00, s6;
	v25 =	vor.u32 $0x190, v0;
	v26 =	vor.u32 $0x1A0, v0;
	s9 =	sshrl.u32 s7, $0x1;
	s5 =	sor.u32 s5, s8;
	[tilespmem:$0x1FFF0] =	vst v1;
	v1 =	vmul.u32 $0xFFFFFFFF, v0  }
0xb: {  	v27 =	vor.u32 $0x1B0, v0;
	v28 =	vor.u32 $0x1C0, v0;
	v29 =	vor.u32 $0x1D0, v0;
	s30 =	ssub.s32 s7, s9;
	s31 =	ssub.s32 $0x213, s5;
	s9 =	simm.s32 $0x1  }
0xc: {  	v30 =	vor.u32 $0x1E0, v0;
	v31 =	vor.u32 $0x1F0, v0;
	s7 =	sshrl.u32 s31, $0x5;
	s8 =	smax.u32 s30, $0x1;
	_ =	strace $0x80000047;
	v32 =	vadd.s32 $0xF, v1  }
.LBB2_14:
0xd: {  	s14 =	sadd.s32 $0x1, s14  }
0xe: {  	p0 =	sne.s32 s14, s8  }
.Ltmp1:
0xf: {  	_ = 	snop;
	(pc) =	sbr.rel @!p0 .LBB2_15-.Ltmp1, $1  }
0x10: {  	_ =	sdelay $0x3  }
.LBB2_1:
.Ltmp2:
0x11: {  	(pc) =	sbr.rel .LBB2_2-.Ltmp2, $2  }
0x12: {  	_ =	sdelay $0x2  }
0x13: {  	s15 =	simm.s32 $0x0  }
.LBB2_13:
0x14: {  	s16 =	smul.u32 $0x1400, s16;
	_ =	sdelay $0x1  }
0x15: {  	s16 =	sshrl.u32 s16, $0x3  }
0x16: {  	s17 =	sadd.s32 s1, s16  }
0x17: {  	[hbm4b:s17+s4] =	stream.linear.scatter [tilespmem:s12], [sflag:$0x1], $0x1400, $0x38;
	[tilespmem:$0x7D00] =	vst v63  }
0x18: {  	s15 =	sadd.s32 $0x1, s15;
	_ =	swait.ge [sflag:s9], $0x1400  }
0x19: {  	p0 =	sne.s32 s15, s7;
	[sflag:s9] =	ssyncset.done $0x0  }
.Ltmp3:
0x1a: {  	s16 =	sadd.s32 s6, s16;
	[sflag:s9] =	ssyncadd.s32 $0xFFFFEC00;
	(pc) =	sbr.rel @!p0 .LBB2_14-.Ltmp3, $4  }
0x1b: {  	[hbm4b:s16+s4] =	stream.linear.scatter [tilespmem:s13], [sflag:$0x1], $0x1400, $0x38;
	[tilespmem:$0x7D00] =	vst v63  }
0x1c: {  	_ =	swait.ge [sflag:s9], $0x1400  }
0x1d: {  	[sflag:s9] =	ssyncset.done $0x0  }
0x1e: {  	[sflag:s9] =	ssyncadd.s32 $0xFFFFEC00  }
.LBB2_2:
0x1f: {  	s16 =	sshll.u32 s15, $0x5  }
0x20: {  	s16 =	sor.u32 s5, s16  }
0x21: {  	s17 =	smul.u32 $0x5000, s16;
	_ =	sdelay $0x1  }
0x22: {  	s17 =	sshrl.u32 s17, $0x3  }
.Ltmp4:
0x23: {  	s18 =	sadd.s32 s0, s17;
	s17 =	simm.s32 $0x0;
	(pc) =	sbr.rel .LBB2_3-.Ltmp4, $4  }
0x24: {  	[tilespmem:s17], [sflag:$0x1] =	stream.linear.gather [hbm4b:s18+s17], $0x5000, $0x38;
	[tilespmem:$0x7D00] =	vst v63  }
0x25: {  	_ =	swait.ge [sflag:s9], $0x5000  }
0x26: {  	[sflag:s9] =	ssyncset.done $0x0  }
0x27: {  	[sflag:s9] =	ssyncadd.s32 $0xFFFFB000  }
.LBB2_4:
0x28: {  	v2 =	vimm.s32 $0x0;
	v33 =	vimm.f32 $-Inf  }
.LBB2_12:
0x29: {  	v1 =	vbroadcast v1, $0xF  }
0x2a: {  	(erf) = vpow2.f32 v33  }
0x2b: {  	(erf) = vrcp.f32 v1;
	_ =	sdelay $0x7  }
0x2c: {  	s17 =	sadd.s32 $0x1, s17;
	v1 =	vpop (erf)  }
0x2d: {  	p0 =	sne.s32 s17, $0x28;
	v3 =	vpop (erf)  }
.Ltmp5:
0x2e: {  	v1 =	vmul.f32 v1, v3;
	(pc) =	sbr.rel @!p0 .LBB2_13-.Ltmp5, $4  }
0x2f: {  	v2 =	vperm.xlane v2, v32  }
0x30: {  	v1 =	vperm.xlane v1, v32  }
0x31: {  	[tilespmem:s18+$0x6400] =	vst v2  }
0x32: {  	[tilespmem:s18+$0x5000] =	vst v1  }
.LBB2_3:
0x33: {  	s19 =	sshll.u32 s17, $0x9;
	s18 =	sshll.u32 s17, $0x7  }
0x34: {  	s19 =	sand.u32 $0x7000, s19;
	s20 =	sand.u32 $0x380, s18  }
0x35: {  	s19 =	sor.u32 s20, s19  }
0x36: {  	v2 =	vld [tilespmem:s19+$0x0]  }
0x37: {  	v1 =	vld [tilespmem:s19+$0x10]  }
0x38: {  	v63 =	vld [tilespmem:s19+$0x20]  }
0x39: {  	v62 =	vld [tilespmem:s19+$0x30]  }
0x3a: {  	v61 =	vld [tilespmem:s19+$0x40]  }
0x3b: {  	v60 =	vld [tilespmem:s19+$0x50];
	v33 =	vmax.f32 v2, $-3.000000010e+38  }
0x3c: {  	v59 =	vld [tilespmem:s19+$0x60];
	v33 =	vmax.f32 v33, v1  }
0x3d: {  	v58 =	vld [tilespmem:s19+$0x70];
	v33 =	vmax.f32 v33, v63  }
0x3e: {  	v57 =	vld [tilespmem:s19+$0x400];
	v33 =	vmax.f32 v33, v62  }
0x3f: {  	v56 =	vld [tilespmem:s19+$0x410];
	v33 =	vmax.f32 v33, v61  }
0x40: {  	v54 =	vld [tilespmem:s19+$0x420];
	v33 =	vmax.f32 v33, v60  }
0x41: {  	v53 =	vld [tilespmem:s19+$0x430];
	v33 =	vmax.f32 v33, v59  }
0x42: {  	v52 =	vld [tilespmem:s19+$0x440];
	v33 =	vmax.f32 v33, v58  }
0x43: {  	v51 =	vld [tilespmem:s19+$0x450];
	v33 =	vmax.f32 v33, v57  }
0x44: {  	v50 =	vld [tilespmem:s19+$0x460];
	v33 =	vmax.f32 v33, v56  }
0x45: {  	v49 =	vld [tilespmem:s19+$0x470];
	v33 =	vmax.f32 v33, v54  }
0x46: {  	v48 =	vld [tilespmem:s19+$0x800];
	v33 =	vmax.f32 v33, v53  }
0x47: {  	v47 =	vld [tilespmem:s19+$0x810];
	v33 =	vmax.f32 v33, v52  }
0x48: {  	v46 =	vld [tilespmem:s19+$0x820];
	v33 =	vmax.f32 v33, v51  }
0x49: {  	v45 =	vld [tilespmem:s19+$0x830];
	v33 =	vmax.f32 v33, v50  }
0x4a: {  	v44 =	vld [tilespmem:s19+$0x840];
	v33 =	vmax.f32 v33, v49  }
0x4b: {  	v43 =	vld [tilespmem:s19+$0x850];
	v33 =	vmax.f32 v33, v48  }
0x4c: {  	v42 =	vld [tilespmem:s19+$0x860];
	v34 =	vmul.f32 $1.442695020e+00, v2;
	v33 =	vmax.f32 v33, v47  }
0x4d: {  	v41 =	vld [tilespmem:s19+$0x870];
	v33 =	vmax.f32 v33, v46  }
0x4e: {  	v40 =	vld [tilespmem:s19+$0xC00];
	v38 =	vmul.f32 $1.442695020e+00, v1;
	(erf) = vpow2.f32 v34;
	v33 =	vmax.f32 v33, v45  }
0x4f: {  	v39 =	vld [tilespmem:s19+$0xC10];
	v33 =	vmax.f32 v33, v44  }
0x50: {  	(erf) = vpow2.f32 v38;
	v38 =	vld [tilespmem:s19+$0xC20];
	v33 =	vmax.f32 v33, v43  }
0x51: {  	v36 =	vld [tilespmem:s19+$0xC30];
	v55 =	vmul.f32 $1.442695020e+00, v63;
	v33 =	vmax.f32 v33, v42  }
0x52: {  	v33 =	vmax.f32 v33, v41  }
0x53: {  	v37 =	vld [tilespmem:s19+$0xC40];
	(erf) = vpow2.f32 v55;
	v55 =	vmul.f32 $1.442695020e+00, v62;
	v33 =	vmax.f32 v33, v40  }
0x54: {  	v35 =	vld [tilespmem:s19+$0xC50];
	v33 =	vmax.f32 v33, v39  }
0x55: {  	v34 =	vld [tilespmem:s19+$0xC60];
	(erf) = vpow2.f32 v55;
	v55 =	vmul.f32 $1.442695020e+00, v61;
	v4 =	vmax.f32 v33, v38  }
0x56: {  	v3 =	vmul.f32 $1.442695020e+00, v60;
	v33 =	vld [tilespmem:s19+$0xC70];
	v4 =	vmax.f32 v4, v36  }
0x57: {  	v5 =	vpop (erf);
	(erf) = vpow2.f32 v55;
	v55 =	vmul.f32 $1.442695020e+00, v59  }
0x58: {  	v5 =	vadd.f32 $0.0e+00, v5;
	(erf) = vpow2.f32 v3;
	v3 =	vmax.f32 v4, v37  }
0x59: {  	v3 =	vmax.f32 v3, v35;
	v4 =	vpop (erf)  }
0x5a: {  	v3 =	vmax.f32 v3, v34;
	v4 =	vadd.f32 v4, v5  }
0x5b: {  	v3 =	vmax.f32 v3, v33  }
0x5c: {  	(erf) = vpow2.f32 v55;
	v5 =	vmul.f32 $1.442695020e+00, v58;
	v55 =	vpop (erf);
	(xrf0) =	vmin.scan.msk.f32 $0xffff, v3  }
0x5d: {  	v3 =	vadd.f32 v55, v4  }
0x5e: {  	(erf) = vpow2.f32 v5;
	v5 =	vmul.f32 $1.442695020e+00, v57;
	v4 =	vpop (erf)  }
0x5f: {  	v3 =	vadd.f32 v4, v3  }
0x60: {  	v4 =	vpop (erf);
	(erf) = vpow2.f32 v5;
	v5 =	vmul.f32 $1.442695020e+00, v56  }
0x61: {  	v3 =	vadd.f32 v4, v3;
	v4 =	vpop (erf)  }
0x62: {  	(erf) = vpow2.f32 v5;
	v5 =	vmul.f32 $1.442695020e+00, v54;
	v55, _, _ =	vpop (xrf0)  }
0x63: {  	v55 =	vbroadcast v55, $0xF;
	v3 =	vadd.f32 v4, v3;
	v4 =	vmul.f32 $1.442695020e+00, v53;
	_ =	sdelay $0x1  }
0x64: {  	v6 =	vpop (erf);
	(erf) = vpow2.f32 v5;
	v5 =	vmul.f32 $1.442695020e+00, v52;
	vm2 =	vge.f32 v2, v55  }
0x65: {  	v3 =	vadd.f32 v6, v3;
	v6 =	vmpcnt.ones.xlane vm2  }
0x66: {  	(erf) = vpow2.f32 v4;
	v4 =	vpop (erf)  }
0x67: {  	(v2sf) =	vpush v6, $0x0;
	v6 =	vmul.f32 $1.442695020e+00, v51;
	v3 =	vadd.f32 v4, v3  }
0x68: {  	(erf) = vpow2.f32 v5;
	v5 =	vpop (erf)  }
0x69: {  	v3 =	vadd.f32 v5, v3;
	v5 =	vmul.f32 $1.442695020e+00, v50;
	_ =	sdelay $0x1  }
0x6a: {  	(erf) = vpow2.f32 v6;
	v6 =	vpop (erf)  }
0x6b: {  	v3 =	vadd.f32 v6, v3;
	v6 =	vmul.f32 $1.442695020e+00, v49  }
0x6c: {  	vm3 =	vge.f32 v1, v55;
	(erf) = vpow2.f32 v5;
	v5 =	vpop (erf)  }
0x6d: {  	v4 =	vmpcnt.ones.xlane vm3;
	v3 =	vadd.f32 v5, v3;
	v5 =	vmul.f32 $1.442695020e+00, v48  }
0x6e: {  	vm7 =	vge.f32 v63, v55;
	(erf) = vpow2.f32 v6  }
0x6f: {  	(v2sf) =	vpush v4, $0x0;
	v4 =	vmpcnt.ones.xlane vm7;
	v6 =	vpop (erf)  }
0x70: {  	vm9 =	vge.f32 v62, v55;
	v3 =	vadd.f32 v6, v3  }
0x71: {  	(v2sf) =	vpush v4, $0x0;
	v4 =	vmpcnt.ones.xlane vm9;
	(erf) = vpow2.f32 v5;
	v5 =	vpop (erf)  }
0x72: {  	vm8 =	vge.f32 v61, v55;
	v6 =	vmul.f32 $1.442695020e+00, v47;
	v3 =	vadd.f32 v5, v3  }
0x73: {  	[tilespmem:s10+$0x0] =	vst.msk vm2, v2;
	v2 =	vmul.f32 $1.442695020e+00, v45;
	(v2sf) =	vpush v4, $0x0;
	v4 =	vmpcnt.ones.xlane vm8;
	v5 =	vpop (erf)  }
0x74: {  	(erf) = vpow2.f32 v6;
	v6 =	vmul.f32 $1.442695020e+00, v46;
	v3 =	vadd.f32 v5, v3  }
0x75: {  	vm6 =	vge.f32 v60, v55;
	(v2sf) =	vpush v4, $0x0;
	v5 =	vpop (erf)  }
0x76: {  	v4 =	vmpcnt.ones.xlane vm6;
	(erf) = vpow2.f32 v6;
	v3 =	vadd.f32 v5, v3  }
0x77: {  	vm4 =	vge.f32 v59, v55;
	(erf) = vpow2.f32 v2;
	v2 =	vpop (erf)  }
0x78: {  	(v2sf) =	vpush v4, $0x0;
	v4 =	vmpcnt.ones.xlane vm4;
	v2 =	vadd.f32 v2, v3;
	v3 =	vld [tilespmem:$0x1FFA0]  }
0x79: {  	vm5 =	vge.f32 v58, v55  }
0x7a: {  	[tilespmem:s11+$0x0] =	vst.msk vm2, v0;
	(v2sf) =	vpush v4, $0x0;
	v4 =	vmpcnt.ones.xlane vm5;
	s29 =	spop (v2sf)  }
0x7b: {  	vm1 =	vge.f32 v57, v55;
	[tilespmem:s29+$0x7800] =	vst.msk vm3, v1;
	v1 =	vmul.f32 $1.442695020e+00, v44  }
0x7c: {  	vm2 =	vge.f32 v54, v55;
	(v2sf) =	vpush v4, $0x0;
	v4 =	vmpcnt.ones.xlane vm1  }
0x7d: {  	vm0 =	vge.f32 v56, v55;
	[tilespmem:s29+$0x7A80] =	vst.msk vm3, v3;
	v3 =	vmpcnt.ones.xlane vm2  }
0x7e: {  	(v2sf) =	vpush v4, $0x0;
	v4 =	vmpcnt.ones.xlane vm0  }
0x7f: {  	(erf) = vpow2.f32 v1;
	v1 =	vpop (erf)  }
0x80: {  	s30 =	spop (v2sf);
	(v2sf) =	vpush v4, $0x0;
	v4 =	vmul.f32 $1.442695020e+00, v43;
	v1 =	vadd.f32 v1, v2;
	v2 =	vld [tilespmem:$0x1FFB0]  }
0x81: {  	(v2sf) =	vpush v3, $0x0;
	v3 =	vpop (erf)  }
0x82: {  	(erf) = vpow2.f32 v4;
	v4 =	vmul.f32 $1.442695020e+00, v42;
	v1 =	vadd.f32 v3, v1;
	v3 =	vld [tilespmem:$0x1FFC0]  }
0x83: {  	s19 =	sadd.s32 s29, s30  }
0x84: {  	s31 =	spop (v2sf);
	[tilespmem:s19+$0x7800] =	vst.msk vm7, v63;
	(erf) = vpow2.f32 v4;
	v4 =	vld [tilespmem:$0x1FFD0]  }
0x85: {  	[tilespmem:s19+$0x7A80] =	vst.msk vm7, v2;
	s19 =	sadd.s32 s19, s31  }
0x86: {  	s21 =	spop (v2sf);
	[tilespmem:s19+$0x7800] =	vst.msk vm9, v62  }
0x87: {  	[tilespmem:s19+$0x7A80] =	vst.msk vm9, v3;
	s19 =	sadd.s32 s19, s21;
	v3 =	vmul.f32 $1.442695020e+00, v41  }
0x88: {  	[tilespmem:s19+$0x7800] =	vst.msk vm8, v61  }
0x89: {  	[tilespmem:s19+$0x7A80] =	vst.msk vm8, v4;
	v4 =	vpop (erf);
	(erf) = vpow2.f32 v3;
	v3 =	vld [tilespmem:$0x1FFE0];
	_ =	sdelay $0x1  }
0x8a: {  	vm3 =	vge.f32 v53, v55;
	s22 =	spop (v2sf)  }
0x8b: {  	v2 =	vmpcnt.ones.xlane vm3;
	s19 =	sadd.s32 s19, s22  }
0x8c: {  	vm7 =	vge.f32 v52, v55;
	v1 =	vadd.f32 v4, v1;
	[tilespmem:s19+$0x7800] =	vst.msk vm6, v60  }
0x8d: {  	(v2sf) =	vpush v2, $0x0;
	v2 =	vmpcnt.ones.xlane vm7;
	[tilespmem:s19+$0x7A80] =	vst.msk vm6, v3;
	v3 =	vpop (erf)  }
0x8e: {  	vm13 =	vge.f32 v51, v55;
	v1 =	vadd.f32 v3, v1;
	v3 =	vld [tilespmem:$0x1FFF0]  }
0x8f: {  	(v2sf) =	vpush v2, $0x0;
	v2 =	vmpcnt.ones.xlane vm13  }
0x90: {  	vm14 =	vge.f32 v50, v55;
	s23 =	spop (v2sf)  }
0x91: {  	(v2sf) =	vpush v2, $0x0;
	v2 =	vmpcnt.ones.xlane vm14;
	s19 =	sadd.s32 s19, s23  }
0x92: {  	s24 =	spop (v2sf);
	vm6 =	vge.f32 v49, v55;
	[tilespmem:s19+$0x7800] =	vst.msk vm4, v59  }
0x93: {  	(v2sf) =	vpush v2, $0x0;
	v2 =	vmpcnt.ones.xlane vm6;
	[tilespmem:s19+$0x7A80] =	vst.msk vm4, v3;
	s19 =	sadd.s32 s19, s24  }
0x94: {  	s25 =	spop (v2sf);
	vm4 =	vge.f32 v48, v55;
	[tilespmem:s19+$0x7800] =	vst.msk vm5, v58  }
0x95: {  	(v2sf) =	vpush v2, $0x0;
	v2 =	vmpcnt.ones.xlane vm4;
	[tilespmem:s19+$0x7A80] =	vst.msk vm5, v7;
	s19 =	sadd.s32 s19, s25  }
0x96: {  	s26 =	spop (v2sf);
	vm5 =	vge.f32 v47, v55;
	[tilespmem:s19+$0x7800] =	vst.msk vm1, v57  }
0x97: {  	v3 =	vpop (erf);
	(v2sf) =	vpush v2, $0x0;
	v2 =	vmpcnt.ones.xlane vm5;
	[tilespmem:s19+$0x7A80] =	vst.msk vm1, v8;
	s19 =	sadd.s32 s19, s26  }
0x98: {  	s28 =	spop (v2sf);
	vm8 =	vge.f32 v46, v55;
	v1 =	vadd.f32 v3, v1;
	[tilespmem:s19+$0x7800] =	vst.msk vm0, v56  }
0x99: {  	v3 =	vpop (erf);
	(v2sf) =	vpush v2, $0x0;
	v2 =	vmpcnt.ones.xlane vm8;
	[tilespmem:s19+$0x7A80] =	vst.msk vm0, v9;
	s19 =	sadd.s32 s19, s28  }
0x9a: {  	vm9 =	vge.f32 v45, v55;
	s29 =	spop (v2sf);
	v1 =	vadd.f32 v3, v1;
	[tilespmem:s19+$0x7800] =	vst.msk vm2, v54  }
0x9b: {  	vm10 =	vge.f32 v44, v55;
	v3 =	vpop (erf);
	(v2sf) =	vpush v2, $0x0;
	v2 =	vmpcnt.ones.xlane vm9;
	[tilespmem:s19+$0x7A80] =	vst.msk vm2, v10;
	s19 =	sadd.s32 s19, s29  }
0x9c: {  	vm15 =	vge.f32 v43, v55;
	vm12 =	vge.f32 v42, v55;
	s30 =	spop (v2sf);
	v1 =	vadd.f32 v3, v1;
	[tilespmem:s19+$0x7800] =	vst.msk vm3, v53  }
0x9d: {  	vm11 =	vge.f32 v41, v55;
	v3 =	vpop (erf);
	(v2sf) =	vpush v2, $0x0;
	v2 =	vmpcnt.ones.xlane vm10;
	[tilespmem:s19+$0x7A80] =	vst.msk vm3, v11;
	s19 =	sadd.s32 s19, s30  }
0x9e: {  	v5 =	vmpcnt.ones.xlane vm12;
	s31 =	spop (v2sf);
	v1 =	vadd.f32 v3, v1;
	v3 =	vmul.f32 $1.442695020e+00, v40;
	[tilespmem:s19+$0x7800] =	vst.msk vm7, v52  }
0x9f: {  	v4 =	vmul.f32 $1.442695020e+00, v39;
	(v2sf) =	vpush v2, $0x0;
	v2 =	vmpcnt.ones.xlane vm15;
	[tilespmem:s19+$0x7A80] =	vst.msk vm7, v12;
	s19 =	sadd.s32 s19, s31  }
0xa0: {  	s21 =	spop (v2sf);
	vm1 =	vge.f32 v36, v55;
	vm0 =	vge.f32 v38, v55;
	(erf) = vpow2.f32 v3;
	[tilespmem:s19+$0x7800] =	vst.msk vm13, v51  }
0xa1: {  	v3 =	vmul.f32 $1.442695020e+00, v38;
	(erf) = vpow2.f32 v4;
	(v2sf) =	vpush v2, $0x0;
	[tilespmem:s19+$0x7A80] =	vst.msk vm13, v13;
	s19 =	sadd.s32 s19, s21  }
0xa2: {  	s22 =	spop (v2sf);
	vm3 =	vge.f32 v39, v55;
	vm7 =	vge.f32 v40, v55;
	v2 =	vmpcnt.ones.xlane vm11;
	[tilespmem:s19+$0x7800] =	vst.msk vm14, v50  }
0xa3: {  	(erf) = vpow2.f32 v3;
	(v2sf) =	vpush v5, $0x0;
	v5 =	vmpcnt.ones.xlane vm7;
	[tilespmem:s19+$0x7A80] =	vst.msk vm14, v14;
	s19 =	sadd.s32 s19, s22  }
0xa4: {  	v3 =	vmul.f32 $1.442695020e+00, v36;
	s23 =	spop (v2sf);
	(v2sf) =	vpush v2, $0x0;
	v2 =	vmpcnt.ones.xlane vm3;
	[tilespmem:s19+$0x7800] =	vst.msk vm6, v49  }
0xa5: {  	vm2 =	vge.f32 v37, v55;
	(v2sf) =	vpush v5, $0x0;
	v5 =	vmpcnt.ones.xlane vm0;
	[tilespmem:s19+$0x7A80] =	vst.msk vm6, v15;
	s19 =	sadd.s32 s19, s23  }
0xa6: {  	(erf) = vpow2.f32 v3;
	(v2sf) =	vpush v2, $0x0;
	v2 =	vmpcnt.ones.xlane vm1;
	s24 =	spop (v2sf);
	[tilespmem:s19+$0x7800] =	vst.msk vm4, v48  }
0xa7: {  	v3 =	vmpcnt.ones.xlane vm2;
	(v2sf) =	vpush v5, $0x0;
	vm6 =	vge.f32 v35, v55;
	[tilespmem:s19+$0x7A80] =	vst.msk vm4, v16;
	s19 =	sadd.s32 s19, s24  }
0xa8: {  	vm13 =	vge.f32 v34, v55;
	(v2sf) =	vpush v2, $0x0;
	v2 =	vmpcnt.ones.xlane vm6;
	s25 =	spop (v2sf);
	[tilespmem:s19+$0x7800] =	vst.msk vm5, v47  }
0xa9: {  	vm14 =	vge.f32 v33, v55;
	v5 =	vmpcnt.ones.xlane vm13;
	(v2sf) =	vpush v3, $0x0;
	[tilespmem:s19+$0x7A80] =	vst.msk vm5, v17;
	s19 =	sadd.s32 s19, s25  }
0xaa: {  	(v2sf) =	vpush v2, $0x0;
	v2 =	vmpcnt.ones.xlane vm14;
	s26 =	spop (v2sf);
	[tilespmem:s19+$0x7800] =	vst.msk vm8, v46  }
0xab: {  	v4 =	vmul.f32 $1.442695020e+00, v37;
	(v2sf) =	vpush v5, $0x0;
	[tilespmem:s19+$0x7A80] =	vst.msk vm8, v18;
	s19 =	sadd.s32 s19, s26  }
0xac: {  	s28 =	spop (v2sf);
	(v2sf) =	vpush v2, $0x0;
	[tilespmem:s19+$0x7800] =	vst.msk vm9, v45  }
0xad: {  	(erf) = vpow2.f32 v4;
	v4 =	vmul.f32 $1.442695020e+00, v35;
	v3 =	vpop (erf);
	[tilespmem:s19+$0x7A80] =	vst.msk vm9, v19;
	s19 =	sadd.s32 s19, s28  }
0xae: {  	v1 =	vadd.f32 v3, v1;
	v3 =	vmul.f32 $1.442695020e+00, v34;
	s29 =	spop (v2sf);
	[tilespmem:s19+$0x7800] =	vst.msk vm10, v44  }
0xaf: {  	(erf) = vpow2.f32 v4;
	v2 =	vpop (erf);
	[tilespmem:s19+$0x7A80] =	vst.msk vm10, v20;
	s19 =	sadd.s32 s19, s29  }
0xb0: {  	v1 =	vadd.f32 v2, v1;
	v2 =	vmul.f32 $1.442695020e+00, v33;
	s30 =	spop (v2sf);
	[tilespmem:s19+$0x7800] =	vst.msk vm15, v43  }
0xb1: {  	(erf) = vpow2.f32 v3;
	[tilespmem:s19+$0x7A80] =	vst.msk vm15, v21;
	s19 =	sadd.s32 s19, s30  }
0xb2: {  	v3 =	vpop (erf);
	s31 =	spop (v2sf);
	[tilespmem:s19+$0x7800] =	vst.msk vm12, v42  }
0xb3: {  	v1 =	vadd.f32 v3, v1;
	(erf) = vpow2.f32 v2;
	s21 =	spop (v2sf);
	[tilespmem:s19+$0x7A80] =	vst.msk vm12, v22;
	s19 =	sadd.s32 s19, s31  }
0xb4: {  	v2 =	vpop (erf);
	s22 =	spop (v2sf);
	s21 =	sadd.s32 s19, s21  }
0xb5: {  	v1 =	vadd.f32 v2, v1;
	s23 =	spop (v2sf);
	[tilespmem:s19+$0x7800] =	vst.msk vm11, v41;
	s20 =	sadd.s32 s21, s22  }
0xb6: {  	v2 =	vpop (erf);
	[tilespmem:s19+$0x7A80] =	vst.msk vm11, v23;
	s22 =	spop (v2sf);
	s19 =	sadd.s32 s20, s23  }
0xb7: {  	v1 =	vadd.f32 v2, v1;
	[tilespmem:s21+$0x7800] =	vst.msk vm7, v40;
	s24 =	spop (v2sf);
	s22 =	sadd.s32 s19, s22  }
0xb8: {  	v2 =	vpop (erf);
	[tilespmem:s21+$0x7A80] =	vst.msk vm7, v24;
	s23 =	spop (v2sf);
	s21 =	sadd.s32 s22, s24  }
0xb9: {  	v1 =	vadd.f32 v2, v1;
	[tilespmem:s20+$0x7800] =	vst.msk vm3, v39;
	s25 =	spop (v2sf);
	s23 =	sadd.s32 s21, s23  }
0xba: {  	v2 =	vpop (erf);
	[tilespmem:s20+$0x7A80] =	vst.msk vm3, v25;
	s24 =	spop (v2sf);
	s25 =	sadd.s32 s23, s25  }
0xbb: {  	v1 =	vadd.f32 v2, v1;
	[tilespmem:s19+$0x7800] =	vst.msk vm0, v38;
	s28 =	spop (v2sf);
	s26 =	sadd.s32 s25, s24  }
0xbc: {  	v2 =	vpop (erf);
	[tilespmem:s19+$0x7A80] =	vst.msk vm0, v26;
	s20 =	sadd.s32 s26, s28  }
0xbd: {  	v1 =	vadd.f32 v2, v1;
	[tilespmem:s22+$0x7800] =	vst.msk vm1, v36;
	s29 =	sadd.s32 $0xF, s20  }
0xbe: {  	[tilespmem:s22+$0x7A80] =	vst.msk vm1, v27;
	s30 =	sand.u32 $0xF, s29  }
0xbf: {  	(xrf2) =	vadd.scan.msk.f32 $0xffff, v1;
	[tilespmem:s21+$0x7800] =	vst.msk vm2, v37;
	s31 =	sshra.s32 s29, $0x1F;
	p1 =	slt.s32 s29, $0x1;
	p0 =	sne.s32 s30, $0x0  }
0xc0: {  	[tilespmem:s21+$0x7A80] =	vst.msk vm2, v28;
	s21 =	sshrl.u32 s31, $0x1C;
	p0 =	por !p1, !p0  }
0xc1: {  	s22 =	simm.s32 $0x1;
	s21 =	sadd.s32 s21, s29;
	p0 =	por !p0, !p0  }
0xc2: {  	s21 =	sshra.s32 s21, $0x4;
	s22 =	simm.s32 @!p0 $0x0  }
0xc3: {  	s21 =	ssub.s32 s21, s22  }
0xc4: {  	[tilespmem:s23+$0x7800] =	vst.msk vm6, v35;
	p0 =	slt.s32 s21, $0x1  }
.Ltmp6:
0xc5: {  	[tilespmem:s23+$0x7A80] =	vst.msk vm6, v29;
	(pc) =	sbr.rel @p0 .LBB2_4-.Ltmp6, $4  }
0xc6: {  	[tilespmem:s25+$0x7800] =	vst.msk vm13, v34  }
0xc7: {  	[tilespmem:s25+$0x7A80] =	vst.msk vm13, v30  }
0xc8: {  	[tilespmem:s26+$0x7800] =	vst.msk vm14, v33  }
0xc9: {  	[tilespmem:s26+$0x7A80] =	vst.msk vm14, v31;
	v1, _, _ =	vpop (xrf2)  }
0xca: {  	p2 =	sne.s32 s21, $0x1  }
.Ltmp7:
0xcb: {  	_ = 	snop;
	(pc) =	sbr.rel @!p2 .LBB2_6-.Ltmp7, $4  }
0xcc: {  	_ = 	snop  }
0xcd: {  	s22 =	simm.s32 $0x7800  }
0xce: {  	s23 =	simm.s32 $0x7A80;
	s19 =	simm.s32 $0x0;
	v36 =	vld [tilespmem:s22+$0x0]  }
0xcf: {  	v34 =	vmov s20;
	v33 =	vimm.f32 $-3.000000010e+38;
	v2 =	vimm.s32 $0x0;
	s20 =	sadd.s32 $0xFFFFFFFF, s21;
	p0 =	por $0x0, $0x0;
	p1 =	por $0x0, $0x0;
	v35 =	vld [tilespmem:s23+$0x0]  }
0xd0: {  	p2 =	sne.s32 s20, $0x1  }
.Ltmp8:
0xd1: {  	_ = 	snop;
	(pc) =	sbr.rel @!p2 .LBB2_8-.Ltmp8, $4  }
0xd2: {  	v3 =	vor.u32 s19, v0  }
0xd3: {  	s21 =	simm.s32 $0x7810;
	vm0 =	vlt.s32 v3, v34  }
0xd4: {  	s31 =	simm.s32 $0x7A90;
	v3 =	vnsel vm0, $0xFF61B1E6, v36;
	v36 =	vld [tilespmem:s21+$0x0]  }
0xd5: {  	s23 =	sadd.s32 $0xFFFFFFFF, s20;
	p0 =	por $0x1, $0x1;
	(xrf1) =	vsort.dscd.msk.f32 $0xffff, v3, v35;
	v35 =	vld [tilespmem:s31+$0x0]  }
0xd6: {  	_ =	sdelay $0xa  }
0xd7: {  	s20 =	simm.s32 $0x10  }
0xd8: {  	v3 =	vor.u32 s20, v0  }
0xd9: {  	vm0 =	vlt.s32 v3, v34;
	v4, v5, _ =	vpop (xrf1)  }
0xda: {  	v3 =	vnsel vm0, $0xFF61B1E6, v36;
	vm15 =	vge.f32 v4, v33  }
0xdb: {  	(xrf1) =	vsort.dscd.msk.f32 $0xffff, v3, v35;
	v3 =	vsel vm15, v4, v33;
	v4 =	vsel vm15, v5, v2  }
0xdc: {  	(xrf1) =	vsort.ascd.msk.f32 $0xffff, v3, v4;
	_ =	sdelay $0x5  }
0xdd: {  	p2 =	sne.s32 s23, $0x1  }
.Ltmp9:
0xde: {  	_ = 	snop;
	(pc) =	sbr.rel @!p2 .LBB2_11-.Ltmp9, $4  }
0xdf: {  	_ = 	snop  }
0xe0: {  	s21 =	simm.s32 $0x7820  }
0xe1: {  	s22 =	simm.s32 $0x7AA0;
	v36 =	vld [tilespmem:s21+$0x0]  }
0xe2: {  	s23 =	sadd.s32 $0xFFFFFFFF, s23;
	p1 =	por $0x1, $0x1;
	v35 =	vld [tilespmem:s22+$0x0]  }
.LBB2_10:
0xe3: {  	p2 =	sne.s32 s23, $0x1;
	s20 =	sadd.s32 $0x10, s20  }
0xe4: {  	v37 =	vor.u32 s20, v0;
	v4, v5, _ =	vpop (xrf1)  }
0xe5: {  	vm0 =	vlt.s32 v37, v34;
	v3, v6, _ =	vpop (xrf1)  }
0xe6: {  	v36 =	vnsel vm0, $0xFF61B1E6, v36;
	vm0 =	vge.f32 v4, v3  }
0xe7: {  	(xrf1) =	vsort.dscd.msk.f32 $0xffff, v36, v35;
	v3 =	vsel vm0, v4, v3;
	v4 =	vsel vm0, v5, v6  }
0xe8: {  	(xrf1) =	vsort.ascd.msk.f32 $0xffff, v3, v4;
	_ =	sdelay $0x6  }
.Ltmp10:
0xe9: {  	(pc) =	sbr.rel @p2 .LBB2_10-.Ltmp10, $4  }
0xea: {  	_ = 	snop  }
0xeb: {  	s21 =	sadd.s32 $0x10, s21  }
0xec: {  	s22 =	sadd.s32 $0x10, s22;
	v36 =	vld [tilespmem:s21+$0x0]  }
0xed: {  	s23 =	sadd.s32 $0xFFFFFFFF, s23;
	v35 =	vld [tilespmem:s22+$0x0]  }
.LBB2_11:
0xee: {  	s20 =	sadd.s32 @p0 $0x10, s20  }
0xef: {  	s19 =	smov.u32 @p0 s20;
	v3, v4, _ =	vpop @p0 (xrf1)  }
0xf0: {  	v5 =	vor.u32 s19, v0;
	v6, v37, _ =	vpop @p1 (xrf1)  }
0xf1: {  	vm0 =	vlt.s32 v5, v34;
	v5 =	vpsel p1, v6, v33  }
0xf2: {  	v34 =	vpsel p1, v37, v2;
	v6 =	vnsel vm0, $0xFF61B1E6, v36;
	vm0 =	vge.f32 @p0 v3, v5  }
0xf3: {  	(xrf1) =	vsort.dscd.msk.f32 $0xffff, v6, v35;
	v3 =	vsel @p0 vm0, v3, v5;
	v4 =	vsel @p0 vm0, v4, v34  }
0xf4: {  	(xrf1) =	vsort.ascd.msk.f32 @p0 $0xffff, v3, v4;
	_ =	sdelay $0xc  }
0xf5: {  	v3, v4, _ =	vpop (xrf1)  }
0xf6: {  	v5, v6, _ =	vpop @p0 (xrf1)  }
0xf7: {  	v5 =	vpsel p0, v5, v33  }
0xf8: {  	v2 =	vpsel p0, v6, v2;
	vm15 =	vge.f32 v3, v5  }
0xf9: {  	v3 =	vsel vm15, v3, v5;
	v2 =	vsel vm15, v4, v2  }
0xfa: {  	(xrf1) =	vsort.ascd.msk.f32 $0xffff, v3, v2;
	_ =	sdelay $0xa  }
.Ltmp11:
0xfb: {  	_ = 	snop;
	(pc) =	sbr.rel .LBB2_12-.Ltmp11, $3  }
0xfc: {  	_ =	sdelay $0x1  }
0xfd: {  	v3, v2, _ =	vpop (xrf1)  }
0xfe: {  	v33 =	vmul.f32 $1.442695020e+00, v3  }
.LBB2_6:
.Ltmp12:
0xff: {  	(pc) =	sbr.rel .LBB2_11-.Ltmp12, $2  }
0x100: {  	_ =	sdelay $0x2  }
0x101: {  	s20 =	simm.s32 $0x0  }
.LBB2_8:
.Ltmp13:
0x102: {  	(pc) =	sbr.rel .LBB2_11-.Ltmp13, $2  }
0x103: {  	_ =	sdelay $0x2  }
0x104: {  	s20 =	simm.s32 $0x0  }
.LBB2_15:
0x105: {  	_ =	sfence.sel $0x180000  }
0x106: {  	[bflag:$0x0] =	sbarrier.arrive $0xFFFF  }
0x107: {  	p0 =	sne.s32 s3, $0x0;
	_ =	strace $0x90000047  }
0x108: {  	s0 =	sadd.s32 @!p0 $0x100000, s2;
	[bflag:$0x2] =	sbarrier.arrive $0xFFFF  }
0x109: {  	[sflag:s0] =	ssyncadd.tile.s32 @!p0 $0x1;
	_ =	shalt  }
.Lfunc_end2:
_tile_overlayer_lowered:
.L_overlay_start_2:
0x10a: {  	(tag) =	ssettag $0x2  }
0x10b: {  	s0 =	rddreg [dreg:$0x0];
	s2 =	stileid.u32  }
0x10c: {  	s1 =	rddreg [dreg:$0x1];
	p0 =	sne.s32 s2, $0x0  }
0x10d: {  	s3 =	rddreg [dreg:$0x2];
	[bflag:$0x3] =	sbarrier.arrive $0xFFFF;
	s2 =	simm.s32 @!p0 $0x1C01  }
0x10e: {  	[timem:s3], [sflag:s2] =	dma.local @!p0 [hbm:s0], s1  }
0x10f: {  	s0 =	simm.s32 @!p0 $0x1  }
0x110: {  	_ =	swait.ge @!p0 [sflag:s0], s1  }
0x111: {  	s1 =	ssub.s32 @!p0 $0x0, s1;
	[sflag:s0] =	ssyncset.done @!p0 $0x0  }
0x112: {  	[sflag:s0] =	ssyncadd.s32 @!p0 s1  }
0x113: {  	[bflag:$0x3] =	sbarrier.arrive $0xFFFF  }
0x114: {  	_ =	shalt  }

</sc_bundles>
